<compile_context>
chip_gen: v7x
topology: tpu7x:2x2x1
jax: 0.10.2.dev20260603
libtpu: 0.0.44.dev20260713+nightly
codegen_flags: <defaults>
</compile_context>

<pallas_src>
import dataclasses
import functools

import jax
import jax.numpy as jnp
from jax import lax
from jax.experimental import pallas as pl
from jax.experimental.pallas import tpu as pltpu
from jax.experimental.pallas import tpu_sc as plsc

N = 10000
E = 160000
D = 256
DH = 128
NS = 16
NC = 2
K = 128
NCHT = E // K
CPT = 80
CPT_LAST = NCHT - 15 * CPT
NCH_PAD = 1256
RPT = 640
N_PAD = 10240
ZR = 128
RING = 16

_sc_mesh = plsc.VectorSubcoreMesh(core_axis_name="c", subcore_axis_name="s")

_sc_params = pltpu.CompilerParams()
if "needs_layout_passes" in pltpu.CompilerParams.__dataclass_fields__:
    _sc_params = dataclasses.replace(_sc_params, needs_layout_passes=False)


def _sc_body(xh, row4, col4, zrows, zdeg, ones_h,
             out_agg, out_deg0, out_deg1,
             rowl, coll, rows2, onesv, agg_s, deg_s, sem2, ssem2):
    cid = lax.axis_index("c")
    sid = lax.axis_index("s")
    nch = jnp.where(sid < NS - 1, CPT, CPT_LAST)
    b0 = sid * CPT

    coff = pl.multiple_of(cid * DH, DH)

    def gstart(ch, par):
        pltpu.async_copy(xh.at[coll.at[ch], pl.ds(coff, DH)], rows2.at[par],
                         sem2.at[par])

    def gwait(par):
        pltpu.make_async_copy(xh.at[coll.at[0], pl.ds(coff, DH)],
                              rows2.at[par], sem2.at[par]).wait()

    def sstart(slot, par):
        pltpu.async_copy(rows2.at[par], agg_s.at[rowl.at[slot]],
                         ssem2.at[par], add=True)

    def swait(par):
        pltpu.make_async_copy(rows2.at[par], agg_s.at[rowl.at[0]],
                              ssem2.at[par]).wait()

    def refill(base, half):
        pltpu.sync_copy(row4.at[pl.ds(b0 + base, RING // 2)],
                        rowl.at[pl.ds(half, RING // 2)])

        pltpu.sync_copy(col4.at[pl.ds(b0 + base, RING // 2)],
                        coll.at[pl.ds(half, RING // 2)])

    refill(0, 0)
    refill(RING // 2, RING // 2)
    pltpu.sync_copy(ones_h, onesv)

    @pl.loop(0, RPT // ZR)
    def _(j):
        pltpu.sync_copy(zrows, agg_s.at[pl.ds(sid * RPT + j * ZR, ZR)])

    pltpu.sync_copy(zdeg, deg_s.at[pl.ds(sid * RPT, RPT)])
    plsc.subcore_barrier()

    @pl.loop(0, nch)
    def _(ch):
        par = lax.rem(ch, 2)
        slot = lax.rem(ch, RING)
        deg_mine = jnp.where(cid == 0, ch < nch // 2, ch >= nch // 2)

        @pl.when(ch == 0)
        def _():
            gstart(0, 0)

        gwait(par)
        sstart(slot, par)

        @pl.when(ch >= 1)
        def _():
            swait(1 - par)

        @pl.when(ch < nch - 1)
        def _():
            gstart(lax.rem(ch + 1, RING), 1 - par)

        @pl.when(jnp.logical_and(lax.rem(ch, RING // 2) == 0,
                                 jnp.logical_and(ch >= RING // 2,
                                                 ch + RING // 2 < nch)))
        def _():
            half = pl.multiple_of(lax.rem(ch + RING // 2, RING), RING // 2)
            refill(pl.multiple_of(ch + RING // 2, RING // 2), half)

        @pl.when(deg_mine)
        def _():
            pltpu.sync_copy(onesv, deg_s.at[rowl.at[slot]], add=True)

    swait(lax.rem(nch - 1, 2))
    plsc.subcore_barrier()

    @pl.when(sid < NS - 1)
    def _():
        pltpu.sync_copy(agg_s.at[pl.ds(sid * RPT, RPT)],
                        out_agg.at[cid, pl.ds(sid * RPT, RPT)])

    @pl.when(sid == NS - 1)
    def _():
        pltpu.sync_copy(agg_s.at[pl.ds((NS - 1) * RPT, N - (NS - 1) * RPT)],
                        out_agg.at[cid, pl.ds((NS - 1) * RPT, N - (NS - 1) * RPT)])

    @pl.when(jnp.logical_and(cid == 0, sid == 0))
    def _():
        pltpu.sync_copy(deg_s, out_deg0)

    @pl.when(jnp.logical_and(cid == 1, sid == 0))
    def _():
        pltpu.sync_copy(deg_s, out_deg1)


_sc_fn = functools.partial(
    pl.kernel,
    out_type=[jax.ShapeDtypeStruct((NC, N, DH), jnp.float32),
              jax.ShapeDtypeStruct((N_PAD,), jnp.float32),
              jax.ShapeDtypeStruct((N_PAD,), jnp.float32)],
    mesh=_sc_mesh,
    compiler_params=_sc_params,
    scratch_types=[
        pltpu.VMEM((RING, K), jnp.int32),
        pltpu.VMEM((RING, K), jnp.int32),
        pltpu.VMEM((2, K, DH), jnp.float32),
        pltpu.VMEM((K,), jnp.float32),
        pltpu.VMEM_SHARED((N_PAD, DH), jnp.float32),
        pltpu.VMEM_SHARED((N_PAD,), jnp.float32),
        pltpu.SemaphoreType.DMA((2,)),
        pltpu.SemaphoreType.DMA((2,)),
    ],
)(_sc_body)


BM = 512


def _tc_body(agg_ref, dinv_ref, w_ref, wt_ref, u_ref, b_ref, out_ref,
             sinv_ref):
    @pl.when(pl.program_id(0) == 0)
    def _():
        hi = lax.Precision.HIGHEST
        wt = wt_ref[...]
        u = u_ref[...]
        v = jnp.dot(wt, u, preferred_element_type=jnp.float32, precision=hi)
        v = v / (jnp.sqrt(jnp.sum(v * v)) + 1e-12)
        wv = jnp.dot(w_ref[...], v, preferred_element_type=jnp.float32,
                     precision=hi)
        n1 = jnp.sqrt(jnp.sum(wv * wv)) + 1e-12
        sinv_ref[0] = 1.0 / jnp.sum((wv / n1) * wv)

    a0 = agg_ref[0] * dinv_ref[...]
    a1 = agg_ref[1] * dinv_ref[...]
    mm = (jnp.dot(a0, wt_ref[:DH], preferred_element_type=jnp.float32)
          + jnp.dot(a1, wt_ref[DH:], preferred_element_type=jnp.float32))
    out_ref[...] = mm * sinv_ref[0] + b_ref[...]


def _tc_fn(agg, dinv, W, WT, u, b):
    grid = (pl.cdiv(N, BM),)
    return pl.pallas_call(
        _tc_body,
        grid=grid,
        in_specs=[
            pl.BlockSpec((NC, BM, DH), lambda i: (0, i, 0)),
            pl.BlockSpec((BM, 1), lambda i: (i, 0)),
            pl.BlockSpec((D, D), lambda i: (0, 0)),
            pl.BlockSpec((D, D), lambda i: (0, 0)),
            pl.BlockSpec((D, 1), lambda i: (0, 0)),
            pl.BlockSpec((1, D), lambda i: (0, 0)),
        ],
        out_specs=pl.BlockSpec((BM, D), lambda i: (i, 0)),
        out_shape=jax.ShapeDtypeStruct((N, D), jnp.float32),
        scratch_shapes=[pltpu.SMEM((1,), jnp.float32)],
    )(agg, dinv, W, WT, u, b)


def kernel(x, edge_index, W, b, u):
    pad = (0, NCH_PAD * K - E)
    row4 = jnp.pad(edge_index[0], pad).reshape(NCH_PAD, K)
    col4 = jnp.pad(edge_index[1], pad).reshape(NCH_PAD, K)
    zrows = jnp.zeros((ZR, DH), jnp.float32)
    zdeg = jnp.zeros((RPT,), jnp.float32)
    ones_h = jnp.ones((K,), jnp.float32)
    agg, deg0, deg1 = _sc_fn(x, row4, col4, zrows, zdeg, ones_h)
    dinv = (1.0 / jnp.maximum(deg0[:N] + deg1[:N], 1.0)).reshape(N, 1)
    out = _tc_fn(agg, dinv,
                 W, W.T, u.reshape(D, 1), b.reshape(1, D))
    return out

# --- scband reference (transcript-rebuilt; emitter-appended) ---
"""Pipeline reference for scband-graph-conv-layer-2482491097817 (READ-ONLY COPY).

The authoritative reference and input builder live on the scoring server;
editing this copy changes nothing except your own understanding.
"""

import jax, jax.numpy as jnp
import numpy as np

N_NODES = 10000
N_EDGES = 160000
D = 256


def setup_inputs(seed: int = 0) -> dict:
    key = jax.random.key(seed)
    k1, k2, k3, k4, k5 = jax.random.split(key, 5)
    x = jax.random.normal(k1, (N_NODES, D), dtype=jnp.float32)
    edge_index = jax.random.randint(k2, (2, N_EDGES), 0, N_NODES, dtype=jnp.int32)
    # nn.Linear(in=256, out=256) parameters (torch layout: W is (out, in))
    bound = 1.0 / np.sqrt(D)
    W = jax.random.uniform(k3, (D, D), dtype=jnp.float32, minval=-bound, maxval=bound)
    b = jax.random.uniform(k4, (D,), dtype=jnp.float32, minval=-bound, maxval=bound)
    # spectral_norm power-iteration buffer u (normalized random vector)
    u = jax.random.normal(k5, (D,), dtype=jnp.float32)
    u = u / (jnp.linalg.norm(u) + 1e-12)
    return {"x": x, "edge_index": edge_index, "W": W, "b": b, "u": u}


def reference(x, edge_index, W, b, u):
    num_nodes = x.shape[0]
    row = edge_index[0]
    col = edge_index[1]
    # agg = zeros.index_add(0, row, x[col])  -> scatter-add of gathered neighbor features
    gathered = jnp.take(x, col, axis=0)
    agg = jnp.zeros_like(x).at[row].add(gathered)
    # degree = zeros.index_add(0, row, ones).clamp(min=1)
    deg = jnp.zeros((num_nodes,), dtype=x.dtype).at[row].add(jnp.ones((row.shape[0],), dtype=x.dtype))
    deg = jnp.maximum(deg, 1.0)[:, None]
    agg = agg / deg
    # spectral_norm(nn.Linear): one power-iteration step, W_sn = W / sigma
    v = W.T @ u
    v = v / (jnp.linalg.norm(v) + 1e-12)
    u1 = W @ v
    u1 = u1 / (jnp.linalg.norm(u1) + 1e-12)
    sigma = u1 @ (W @ v)
    W_sn = W / sigma
    return agg @ W_sn.T + b

if __name__ == "__main__":
    import jax
    _d = setup_inputs()
    print(jax.jit(kernel)(*tuple(_d.values())))

</pallas_src>

<mosaic_0001>
#map = affine_map<(d0, d1) -> (0, 0)>
#map1 = affine_map<(d0, d1) -> (0)>
#map2 = affine_map<(d0, d1) -> (0, 0, 0)>
module attributes {stable_mosaic.version = 14 : i64} {
  func.func @_sc_body(%arg0: i32, %arg1: i32, %arg2: memref<10000x256xf32, #tpu.memory_space<hbm>>, %arg3: memref<1256x128xi32, #tpu.memory_space<hbm>>, %arg4: memref<1256x128xi32, #tpu.memory_space<hbm>>, %arg5: memref<128x128xf32, #tpu.memory_space<hbm>>, %arg6: memref<640xf32, #tpu.memory_space<hbm>>, %arg7: memref<128xf32, #tpu.memory_space<hbm>>, %arg8: memref<2x10000x128xf32, #tpu.memory_space<hbm>>, %arg9: memref<10240xf32, #tpu.memory_space<hbm>>, %arg10: memref<10240xf32, #tpu.memory_space<hbm>>, %arg11: memref<16x128xi32, #tpu.memory_space<vmem>>, %arg12: memref<16x128xi32, #tpu.memory_space<vmem>>, %arg13: memref<2x128x128xf32, #tpu.memory_space<vmem>>, %arg14: memref<128xf32, #tpu.memory_space<vmem>>, %arg15: memref<10240x128xf32, #tpu.memory_space<vmem_shared>>, %arg16: memref<10240xf32, #tpu.memory_space<vmem_shared>>, %arg17: memref<2x!tpu.dma_semaphore, #tpu.memory_space<semaphore_mem>>, %arg18: memref<2x!tpu.dma_semaphore, #tpu.memory_space<semaphore_mem>>) attributes {dimension_semantics = [#tpu.dimension_semantics<core_parallel>, #tpu.dimension_semantics<subcore_parallel>], iteration_bounds = array<i64: 2, 16>, scalar_prefetch = 0 : i64, scratch_operands = 8 : i64, tpu.core_type = #tpu.core_type<sc_vector_subcore>, window_params = [{transform_indices = #map}, {transform_indices = #map}, {transform_indices = #map}, {transform_indices = #map}, {transform_indices = #map1}, {transform_indices = #map1}, {transform_indices = #map2}, {transform_indices = #map1}, {transform_indices = #map1}]} {
    %lt3A = arith.constant 15 : i32
    %lt3A_0 = arith.cmpi slt, %arg1, %lt3A : i32
    %jit3A = arith.constant 80 : i32
    %jit3A_1 = arith.constant 50 : i32
    %select_n3A = arith.select %lt3A_0, %jit3A, %jit3A_1 : i32
    %mul3A = arith.constant 80 : i32
    %mul3A_2 = arith.muli %arg1, %mul3A : i32
    %mul3A_3 = arith.constant 128 : i32
    %mul3A_4 = arith.muli %arg0, %mul3A_3 : i32
    %multiple_of3A = tpu.assume_multiple %mul3A_4, 128 : i32
    %add3A = arith.constant 0 : i32
    %add3A_5 = arith.addi %mul3A_2, %add3A : i32
    "tpu.region"() ({
      %run_scoped3A = tpu.sem_alloc : memref<!tpu.dma_semaphore, #tpu.memory_space<semaphore_mem>>
      %dma_start3A = arith.constant 0 : i32
      %dma_start3A_72 = arith.constant 0 : i32
      %dma_start3A_73 = tpu.memref_slice %arg11[%dma_start3A, %dma_start3A_72] : memref<16x128xi32, #tpu.memory_space<vmem>> -> memref<8x128xi32, #tpu.memory_space<vmem>>
      %dma_start3A_74 = arith.constant 0 : i32
      %dma_start3A_75 = tpu.memref_slice %arg3[%add3A_5, %dma_start3A_74] : memref<1256x128xi32, #tpu.memory_space<hbm>> -> memref<8x128xi32, #tpu.memory_space<hbm>>
      %dma_start3A_76 = arith.constant 0 : i32
      %dma_start3A_77 = arith.constant 0 : i32
      %dma_start3A_78 = tpu.memref_slice %arg11[%dma_start3A_76, %dma_start3A_77] : memref<16x128xi32, #tpu.memory_space<vmem>> -> memref<8x128xi32, #tpu.memory_space<vmem>>
      %dma_start3A_79 = arith.constant 0 : i32
      %dma_start3A_80 = tpu.memref_slice %arg3[%add3A_5, %dma_start3A_79] : memref<1256x128xi32, #tpu.memory_space<hbm>> -> memref<8x128xi32, #tpu.memory_space<hbm>>
      tpu.enqueue_dma source(%dma_start3A_80 : memref<8x128xi32, #tpu.memory_space<hbm>>) target(%dma_start3A_78 : memref<8x128xi32, #tpu.memory_space<vmem>>) target_semaphore(%run_scoped3A : memref<!tpu.dma_semaphore, #tpu.memory_space<semaphore_mem>>)
      %dma_wait3A_81 = arith.constant 0 : i32
      %dma_wait3A_82 = arith.constant 0 : i32
      %dma_wait3A_83 = tpu.memref_slice %arg11[%dma_wait3A_81, %dma_wait3A_82] : memref<16x128xi32, #tpu.memory_space<vmem>> -> memref<8x128xi32, #tpu.memory_space<vmem>>
      %dma_wait3A_84 = arith.constant 0 : i32
      %dma_wait3A_85 = tpu.memref_slice %arg3[%add3A_5, %dma_wait3A_84] : memref<1256x128xi32, #tpu.memory_space<hbm>> -> memref<8x128xi32, #tpu.memory_space<hbm>>
      %dma_wait3A_86 = arith.constant 0 : i32
      %dma_wait3A_87 = arith.constant 0 : i32
      %dma_wait3A_88 = tpu.memref_slice %arg11[%dma_wait3A_86, %dma_wait3A_87] : memref<16x128xi32, #tpu.memory_space<vmem>> -> memref<8x128xi32, #tpu.memory_space<vmem>>
      %dma_wait3A_89 = arith.constant 0 : i32
      %dma_wait3A_90 = tpu.memref_slice %arg3[%add3A_5, %dma_wait3A_89] : memref<1256x128xi32, #tpu.memory_space<hbm>> -> memref<8x128xi32, #tpu.memory_space<hbm>>
      tpu.wait_dma2 semaphore(%run_scoped3A : memref<!tpu.dma_semaphore, #tpu.memory_space<semaphore_mem>>) src(%dma_wait3A_90 : memref<8x128xi32, #tpu.memory_space<hbm>>) dst(%dma_wait3A_88 : memref<8x128xi32, #tpu.memory_space<vmem>>)
      tpu.yield
    }) : () -> ()
    %add3A_6 = arith.constant 0 : i32
    %add3A_7 = arith.addi %mul3A_2, %add3A_6 : i32
    "tpu.region"() ({
      %run_scoped3A = tpu.sem_alloc : memref<!tpu.dma_semaphore, #tpu.memory_space<semaphore_mem>>
      %dma_start3A = arith.constant 0 : i32
      %dma_start3A_72 = arith.constant 0 : i32
      %dma_start3A_73 = tpu.memref_slice %arg12[%dma_start3A, %dma_start3A_72] : memref<16x128xi32, #tpu.memory_space<vmem>> -> memref<8x128xi32, #tpu.memory_space<vmem>>
      %dma_start3A_74 = arith.constant 0 : i32
      %dma_start3A_75 = tpu.memref_slice %arg4[%add3A_7, %dma_start3A_74] : memref<1256x128xi32, #tpu.memory_space<hbm>> -> memref<8x128xi32, #tpu.memory_space<hbm>>
      %dma_start3A_76 = arith.constant 0 : i32
      %dma_start3A_77 = arith.constant 0 : i32
      %dma_start3A_78 = tpu.memref_slice %arg12[%dma_start3A_76, %dma_start3A_77] : memref<16x128xi32, #tpu.memory_space<vmem>> -> memref<8x128xi32, #tpu.memory_space<vmem>>
      %dma_start3A_79 = arith.constant 0 : i32
      %dma_start3A_80 = tpu.memref_slice %arg4[%add3A_7, %dma_start3A_79] : memref<1256x128xi32, #tpu.memory_space<hbm>> -> memref<8x128xi32, #tpu.memory_space<hbm>>
      tpu.enqueue_dma source(%dma_start3A_80 : memref<8x128xi32, #tpu.memory_space<hbm>>) target(%dma_start3A_78 : memref<8x128xi32, #tpu.memory_space<vmem>>) target_semaphore(%run_scoped3A : memref<!tpu.dma_semaphore, #tpu.memory_space<semaphore_mem>>)
      %dma_wait3A_81 = arith.constant 0 : i32
      %dma_wait3A_82 = arith.constant 0 : i32
      %dma_wait3A_83 = tpu.memref_slice %arg12[%dma_wait3A_81, %dma_wait3A_82] : memref<16x128xi32, #tpu.memory_space<vmem>> -> memref<8x128xi32, #tpu.memory_space<vmem>>
      %dma_wait3A_84 = arith.constant 0 : i32
      %dma_wait3A_85 = tpu.memref_slice %arg4[%add3A_7, %dma_wait3A_84] : memref<1256x128xi32, #tpu.memory_space<hbm>> -> memref<8x128xi32, #tpu.memory_space<hbm>>
      %dma_wait3A_86 = arith.constant 0 : i32
      %dma_wait3A_87 = arith.constant 0 : i32
      %dma_wait3A_88 = tpu.memref_slice %arg12[%dma_wait3A_86, %dma_wait3A_87] : memref<16x128xi32, #tpu.memory_space<vmem>> -> memref<8x128xi32, #tpu.memory_space<vmem>>
      %dma_wait3A_89 = arith.constant 0 : i32
      %dma_wait3A_90 = tpu.memref_slice %arg4[%add3A_7, %dma_wait3A_89] : memref<1256x128xi32, #tpu.memory_space<hbm>> -> memref<8x128xi32, #tpu.memory_space<hbm>>
      tpu.wait_dma2 semaphore(%run_scoped3A : memref<!tpu.dma_semaphore, #tpu.memory_space<semaphore_mem>>) src(%dma_wait3A_90 : memref<8x128xi32, #tpu.memory_space<hbm>>) dst(%dma_wait3A_88 : memref<8x128xi32, #tpu.memory_space<vmem>>)
      tpu.yield
    }) : () -> ()
    %add3A_8 = arith.constant 8 : i32
    %add3A_9 = arith.addi %mul3A_2, %add3A_8 : i32
    "tpu.region"() ({
      %run_scoped3A = tpu.sem_alloc : memref<!tpu.dma_semaphore, #tpu.memory_space<semaphore_mem>>
      %dma_start3A = arith.constant 8 : i32
      %dma_start3A_72 = arith.constant 0 : i32
      %dma_start3A_73 = tpu.memref_slice %arg11[%dma_start3A, %dma_start3A_72] : memref<16x128xi32, #tpu.memory_space<vmem>> -> memref<8x128xi32, #tpu.memory_space<vmem>>
      %dma_start3A_74 = arith.constant 0 : i32
      %dma_start3A_75 = tpu.memref_slice %arg3[%add3A_9, %dma_start3A_74] : memref<1256x128xi32, #tpu.memory_space<hbm>> -> memref<8x128xi32, #tpu.memory_space<hbm>>
      %dma_start3A_76 = arith.constant 8 : i32
      %dma_start3A_77 = arith.constant 0 : i32
      %dma_start3A_78 = tpu.memref_slice %arg11[%dma_start3A_76, %dma_start3A_77] : memref<16x128xi32, #tpu.memory_space<vmem>> -> memref<8x128xi32, #tpu.memory_space<vmem>>
      %dma_start3A_79 = arith.constant 0 : i32
      %dma_start3A_80 = tpu.memref_slice %arg3[%add3A_9, %dma_start3A_79] : memref<1256x128xi32, #tpu.memory_space<hbm>> -> memref<8x128xi32, #tpu.memory_space<hbm>>
      tpu.enqueue_dma source(%dma_start3A_80 : memref<8x128xi32, #tpu.memory_space<hbm>>) target(%dma_start3A_78 : memref<8x128xi32, #tpu.memory_space<vmem>>) target_semaphore(%run_scoped3A : memref<!tpu.dma_semaphore, #tpu.memory_space<semaphore_mem>>)
      %dma_wait3A_81 = arith.constant 8 : i32
      %dma_wait3A_82 = arith.constant 0 : i32
      %dma_wait3A_83 = tpu.memref_slice %arg11[%dma_wait3A_81, %dma_wait3A_82] : memref<16x128xi32, #tpu.memory_space<vmem>> -> memref<8x128xi32, #tpu.memory_space<vmem>>
      %dma_wait3A_84 = arith.constant 0 : i32
      %dma_wait3A_85 = tpu.memref_slice %arg3[%add3A_9, %dma_wait3A_84] : memref<1256x128xi32, #tpu.memory_space<hbm>> -> memref<8x128xi32, #tpu.memory_space<hbm>>
      %dma_wait3A_86 = arith.constant 8 : i32
      %dma_wait3A_87 = arith.constant 0 : i32
      %dma_wait3A_88 = tpu.memref_slice %arg11[%dma_wait3A_86, %dma_wait3A_87] : memref<16x128xi32, #tpu.memory_space<vmem>> -> memref<8x128xi32, #tpu.memory_space<vmem>>
      %dma_wait3A_89 = arith.constant 0 : i32
      %dma_wait3A_90 = tpu.memref_slice %arg3[%add3A_9, %dma_wait3A_89] : memref<1256x128xi32, #tpu.memory_space<hbm>> -> memref<8x128xi32, #tpu.memory_space<hbm>>
      tpu.wait_dma2 semaphore(%run_scoped3A : memref<!tpu.dma_semaphore, #tpu.memory_space<semaphore_mem>>) src(%dma_wait3A_90 : memref<8x128xi32, #tpu.memory_space<hbm>>) dst(%dma_wait3A_88 : memref<8x128xi32, #tpu.memory_space<vmem>>)
      tpu.yield
    }) : () -> ()
    %add3A_10 = arith.constant 8 : i32
    %add3A_11 = arith.addi %mul3A_2, %add3A_10 : i32
    "tpu.region"() ({
      %run_scoped3A = tpu.sem_alloc : memref<!tpu.dma_semaphore, #tpu.memory_space<semaphore_mem>>
      %dma_start3A = arith.constant 8 : i32
      %dma_start3A_72 = arith.constant 0 : i32
      %dma_start3A_73 = tpu.memref_slice %arg12[%dma_start3A, %dma_start3A_72] : memref<16x128xi32, #tpu.memory_space<vmem>> -> memref<8x128xi32, #tpu.memory_space<vmem>>
      %dma_start3A_74 = arith.constant 0 : i32
      %dma_start3A_75 = tpu.memref_slice %arg4[%add3A_11, %dma_start3A_74] : memref<1256x128xi32, #tpu.memory_space<hbm>> -> memref<8x128xi32, #tpu.memory_space<hbm>>
      %dma_start3A_76 = arith.constant 8 : i32
      %dma_start3A_77 = arith.constant 0 : i32
      %dma_start3A_78 = tpu.memref_slice %arg12[%dma_start3A_76, %dma_start3A_77] : memref<16x128xi32, #tpu.memory_space<vmem>> -> memref<8x128xi32, #tpu.memory_space<vmem>>
      %dma_start3A_79 = arith.constant 0 : i32
      %dma_start3A_80 = tpu.memref_slice %arg4[%add3A_11, %dma_start3A_79] : memref<1256x128xi32, #tpu.memory_space<hbm>> -> memref<8x128xi32, #tpu.memory_space<hbm>>
      tpu.enqueue_dma source(%dma_start3A_80 : memref<8x128xi32, #tpu.memory_space<hbm>>) target(%dma_start3A_78 : memref<8x128xi32, #tpu.memory_space<vmem>>) target_semaphore(%run_scoped3A : memref<!tpu.dma_semaphore, #tpu.memory_space<semaphore_mem>>)
      %dma_wait3A_81 = arith.constant 8 : i32
      %dma_wait3A_82 = arith.constant 0 : i32
      %dma_wait3A_83 = tpu.memref_slice %arg12[%dma_wait3A_81, %dma_wait3A_82] : memref<16x128xi32, #tpu.memory_space<vmem>> -> memref<8x128xi32, #tpu.memory_space<vmem>>
      %dma_wait3A_84 = arith.constant 0 : i32
      %dma_wait3A_85 = tpu.memref_slice %arg4[%add3A_11, %dma_wait3A_84] : memref<1256x128xi32, #tpu.memory_space<hbm>> -> memref<8x128xi32, #tpu.memory_space<hbm>>
      %dma_wait3A_86 = arith.constant 8 : i32
      %dma_wait3A_87 = arith.constant 0 : i32
      %dma_wait3A_88 = tpu.memref_slice %arg12[%dma_wait3A_86, %dma_wait3A_87] : memref<16x128xi32, #tpu.memory_space<vmem>> -> memref<8x128xi32, #tpu.memory_space<vmem>>
      %dma_wait3A_89 = arith.constant 0 : i32
      %dma_wait3A_90 = tpu.memref_slice %arg4[%add3A_11, %dma_wait3A_89] : memref<1256x128xi32, #tpu.memory_space<hbm>> -> memref<8x128xi32, #tpu.memory_space<hbm>>
      tpu.wait_dma2 semaphore(%run_scoped3A : memref<!tpu.dma_semaphore, #tpu.memory_space<semaphore_mem>>) src(%dma_wait3A_90 : memref<8x128xi32, #tpu.memory_space<hbm>>) dst(%dma_wait3A_88 : memref<8x128xi32, #tpu.memory_space<vmem>>)
      tpu.yield
    }) : () -> ()
    "tpu.region"() ({
      %run_scoped3A = tpu.sem_alloc : memref<!tpu.dma_semaphore, #tpu.memory_space<semaphore_mem>>
      tpu.enqueue_dma source(%arg7 : memref<128xf32, #tpu.memory_space<hbm>>) target(%arg14 : memref<128xf32, #tpu.memory_space<vmem>>) target_semaphore(%run_scoped3A : memref<!tpu.dma_semaphore, #tpu.memory_space<semaphore_mem>>)
      tpu.wait_dma2 semaphore(%run_scoped3A : memref<!tpu.dma_semaphore, #tpu.memory_space<semaphore_mem>>) src(%arg7 : memref<128xf32, #tpu.memory_space<hbm>>) dst(%arg14 : memref<128xf32, #tpu.memory_space<vmem>>)
      tpu.yield
    }) : () -> ()
    %scan3A = arith.constant 0 : i32
    %scan3A_12 = arith.constant 5 : i32
    %scan3A_13 = arith.addi %scan3A, %scan3A_12 : i32
    %scan3A_14 = arith.constant 1 : i32
    scf.for %scan3A_72 = %scan3A to %scan3A_13 step %scan3A_14  : i32 {
      %mul3A_73 = arith.constant 1 : i32
      %mul3A_74 = arith.muli %scan3A_72, %mul3A_73 : i32
      %add3A_75 = arith.constant 0 : i32
      %add3A_76 = arith.addi %add3A_75, %mul3A_74 : i32
      %mul3A_77 = arith.constant 640 : i32
      %mul3A_78 = arith.muli %arg1, %mul3A_77 : i32
      %mul3A_79 = arith.constant 128 : i32
      %mul3A_80 = arith.muli %add3A_76, %mul3A_79 : i32
      %add3A_81 = arith.addi %mul3A_78, %mul3A_80 : i32
      "tpu.region"() ({
        %run_scoped3A = tpu.sem_alloc : memref<!tpu.dma_semaphore, #tpu.memory_space<semaphore_mem>>
        %dma_start3A = arith.constant 0 : i32
        %dma_start3A_82 = tpu.memref_slice %arg15[%add3A_81, %dma_start3A] : memref<10240x128xf32, #tpu.memory_space<vmem_shared>> -> memref<128x128xf32, #tpu.memory_space<vmem_shared>>
        tpu.enqueue_dma source(%arg5 : memref<128x128xf32, #tpu.memory_space<hbm>>) target(%dma_start3A_82 : memref<128x128xf32, #tpu.memory_space<vmem_shared>>) target_semaphore(%run_scoped3A : memref<!tpu.dma_semaphore, #tpu.memory_space<semaphore_mem>>)
        %dma_wait3A_83 = arith.constant 0 : i32
        %dma_wait3A_84 = tpu.memref_slice %arg15[%add3A_81, %dma_wait3A_83] : memref<10240x128xf32, #tpu.memory_space<vmem_shared>> -> memref<128x128xf32, #tpu.memory_space<vmem_shared>>
        tpu.wait_dma2 semaphore(%run_scoped3A : memref<!tpu.dma_semaphore, #tpu.memory_space<semaphore_mem>>) src(%arg5 : memref<128x128xf32, #tpu.memory_space<hbm>>) dst(%dma_wait3A_84 : memref<128x128xf32, #tpu.memory_space<vmem_shared>>)
        tpu.yield
      }) : () -> ()
    }
    %scan3A_15 = arith.constant 5 : i32
    %mul3A_16 = arith.constant 640 : i32
    %mul3A_17 = arith.muli %arg1, %mul3A_16 : i32
    "tpu.region"() ({
      %run_scoped3A = tpu.sem_alloc : memref<!tpu.dma_semaphore, #tpu.memory_space<semaphore_mem>>
      %dma_start3A = tpu.memref_slice %arg16[%mul3A_17] : memref<10240xf32, #tpu.memory_space<vmem_shared>> -> memref<640xf32, #tpu.memory_space<vmem_shared>>
      tpu.enqueue_dma source(%arg6 : memref<640xf32, #tpu.memory_space<hbm>>) target(%dma_start3A : memref<640xf32, #tpu.memory_space<vmem_shared>>) target_semaphore(%run_scoped3A : memref<!tpu.dma_semaphore, #tpu.memory_space<semaphore_mem>>)
      %dma_wait3A_72 = tpu.memref_slice %arg16[%mul3A_17] : memref<10240xf32, #tpu.memory_space<vmem_shared>> -> memref<640xf32, #tpu.memory_space<vmem_shared>>
      tpu.wait_dma2 semaphore(%run_scoped3A : memref<!tpu.dma_semaphore, #tpu.memory_space<semaphore_mem>>) src(%arg6 : memref<640xf32, #tpu.memory_space<hbm>>) dst(%dma_wait3A_72 : memref<640xf32, #tpu.memory_space<vmem_shared>>)
      tpu.yield
    }) : () -> ()
    %barrier3A = arith.constant 0 : index
    tpu.barrier barrier_id(%barrier3A)
    %sub3A = arith.constant 0 : i32
    %sub3A_18 = arith.subi %select_n3A, %sub3A : i32
    %sub3A_19 = arith.constant 1 : i32
    %sub3A_20 = arith.constant 1 : i32
    %sub3A_21 = arith.subi %sub3A_19, %sub3A_20 : i32
    %add3A_22 = arith.addi %sub3A_18, %sub3A_21 : i32
    %div3A = arith.constant 1 : i32
    %div3A_23 = arith.divsi %add3A_22, %div3A : i32
    %while3A = arith.constant 1 : i32
    %while3A_24 = arith.constant 0 : i32
    %while3A_25 = arith.constant 0 : i32
    %while3A_26 = arith.subi %div3A_23, %while3A_25 : i32
    %while3A_27 = arith.addi %while3A_25, %while3A_26 : i32
    %while3A_28 = arith.constant 1 : i32
    %while3A_29 = arith.divsi %while3A_26, %while3A_28 : i32
    %while3A_30 = arith.muli %while3A_29, %while3A_28 : i32
    %while3A_31 = arith.addi %while3A_25, %while3A_30 : i32
    %while3A_32 = arith.constant 1 : i32
    scf.for %while3A_72 = %while3A_25 to %while3A_31 step %while3A_32  : i32 {
      %mul3A_73 = arith.muli %while3A_72, %while3A : i32
      %add3A_74 = arith.addi %while3A_24, %mul3A_73 : i32
      %rem3A_75 = arith.constant 2 : i32
      %rem3A_76 = arith.remsi %add3A_74, %rem3A_75 : i32
      %rem3A_77 = arith.constant 16 : i32
      %rem3A_78 = arith.remsi %add3A_74, %rem3A_77 : i32
      %eq3A_79 = arith.constant 0 : i32
      %eq3A_80 = arith.cmpi eq, %arg0, %eq3A_79 : i32
      %jit3A_81 = arith.constant 2 : i32
      %div3A_82 = arith.divsi %select_n3A, %jit3A_81 : i32
      %sign3A = arith.constant 0 : i32
      %sign3A_83 = arith.cmpi sgt, %select_n3A, %sign3A : i32
      %sign3A_84 = arith.extui %sign3A_83 : i1 to i32
      %sign3A_85 = arith.constant 0 : i32
      %sign3A_86 = arith.cmpi slt, %select_n3A, %sign3A_85 : i32
      %sign3A_87 = arith.extui %sign3A_86 : i1 to i32
      %sign3A_88 = arith.subi %sign3A_84, %sign3A_87 : i32
      %sign3A_89 = arith.constant 0 : i32
      %sign3A_90 = arith.cmpi sgt, %jit3A_81, %sign3A_89 : i32
      %sign3A_91 = arith.extui %sign3A_90 : i1 to i32
      %sign3A_92 = arith.constant 0 : i32
      %sign3A_93 = arith.cmpi slt, %jit3A_81, %sign3A_92 : i32
      %sign3A_94 = arith.extui %sign3A_93 : i1 to i32
      %sign3A_95 = arith.subi %sign3A_91, %sign3A_94 : i32
      %ne3A = arith.cmpi ne, %sign3A_88, %sign3A_95 : i32
      %rem3A_96 = arith.remsi %select_n3A, %jit3A_81 : i32
      %ne3A_97 = arith.constant 0 : i32
      %ne3A_98 = arith.cmpi ne, %rem3A_96, %ne3A_97 : i32
      %and3A_99 = arith.andi %ne3A, %ne3A_98 : i1
      %sub3A_100 = arith.constant 1 : i32
      %sub3A_101 = arith.subi %div3A_82, %sub3A_100 : i32
      %select_n3A_102 = arith.select %and3A_99, %sub3A_101, %div3A_82 : i32
      %lt3A_103 = arith.cmpi slt, %add3A_74, %select_n3A_102 : i32
      %jit3A_104 = arith.constant 2 : i32
      %div3A_105 = arith.divsi %select_n3A, %jit3A_104 : i32
      %sign3A_106 = arith.constant 0 : i32
      %sign3A_107 = arith.cmpi sgt, %select_n3A, %sign3A_106 : i32
      %sign3A_108 = arith.extui %sign3A_107 : i1 to i32
      %sign3A_109 = arith.constant 0 : i32
      %sign3A_110 = arith.cmpi slt, %select_n3A, %sign3A_109 : i32
      %sign3A_111 = arith.extui %sign3A_110 : i1 to i32
      %sign3A_112 = arith.subi %sign3A_108, %sign3A_111 : i32
      %sign3A_113 = arith.constant 0 : i32
      %sign3A_114 = arith.cmpi sgt, %jit3A_104, %sign3A_113 : i32
      %sign3A_115 = arith.extui %sign3A_114 : i1 to i32
      %sign3A_116 = arith.constant 0 : i32
      %sign3A_117 = arith.cmpi slt, %jit3A_104, %sign3A_116 : i32
      %sign3A_118 = arith.extui %sign3A_117 : i1 to i32
      %sign3A_119 = arith.subi %sign3A_115, %sign3A_118 : i32
      %ne3A_120 = arith.cmpi ne, %sign3A_112, %sign3A_119 : i32
      %rem3A_121 = arith.remsi %select_n3A, %jit3A_104 : i32
      %ne3A_122 = arith.constant 0 : i32
      %ne3A_123 = arith.cmpi ne, %rem3A_121, %ne3A_122 : i32
      %and3A_124 = arith.andi %ne3A_120, %ne3A_123 : i1
      %sub3A_125 = arith.constant 1 : i32
      %sub3A_126 = arith.subi %div3A_105, %sub3A_125 : i32
      %select_n3A_127 = arith.select %and3A_124, %sub3A_126, %div3A_105 : i32
      %ge3A = arith.cmpi sge, %add3A_74, %select_n3A_127 : i32
      %select_n3A_128 = arith.select %eq3A_80, %lt3A_103, %ge3A : i1
      %eq3A_129 = arith.constant 0 : i32
      %eq3A_130 = arith.cmpi eq, %add3A_74, %eq3A_129 : i32
      %convert_element_type3A_131 = arith.extui %eq3A_130 : i1 to i32
      %cond3A_132 = arith.constant 0 : i32
      %cond3A_133 = arith.cmpi ne, %convert_element_type3A_131, %cond3A_132 : i32
      scf.if %cond3A_133 {
        %dma_start3A_185 = arith.constant 0 : i32
        %dma_start3A_186 = arith.constant 0 : i32
        %dma_start3A_187 = arith.constant 0 : i32
        %dma_start3A_188 = arith.constant 0 : i32
        %dma_start3A_189 = arith.constant 0 : i32
        %dma_start3A_190 = tpu.memref_slice %arg13[%dma_start3A_186, %dma_start3A_188, %dma_start3A_189] : memref<2x128x128xf32, #tpu.memory_space<vmem>> -> memref<1x128x128xf32, #tpu.memory_space<vmem>>
        %dma_start3A_191 = tpu.memref_squeeze %dma_start3A_190 : memref<1x128x128xf32, #tpu.memory_space<vmem>> -> memref<128x128xf32, #tpu.memory_space<vmem>>
        %dma_start3A_192 = arith.constant 0 : i32
        %dma_start3A_193 = tpu.memref_slice %arg12[%dma_start3A_185, %dma_start3A_192] : memref<16x128xi32, #tpu.memory_space<vmem>> -> memref<1x128xi32, #tpu.memory_space<vmem>>
        %dma_start3A_194 = tpu.memref_squeeze %dma_start3A_193 : memref<1x128xi32, #tpu.memory_space<vmem>> -> memref<128xi32, #tpu.memory_space<vmem>>
        %dma_start3A_195 = arith.constant 0 : i32
        %dma_start3A_196 = tpu.memref_slice %arg2[%dma_start3A_195, %multiple_of3A] : memref<10000x256xf32, #tpu.memory_space<hbm>> -> memref<10000x128xf32, #tpu.memory_space<hbm>>
        %dma_start3A_197 = tpu.memref_slice %arg17[%dma_start3A_187] : memref<2x!tpu.dma_semaphore, #tpu.memory_space<semaphore_mem>> -> memref<1x!tpu.dma_semaphore, #tpu.memory_space<semaphore_mem>>
        %dma_start3A_198 = tpu.memref_squeeze %dma_start3A_197 : memref<1x!tpu.dma_semaphore, #tpu.memory_space<semaphore_mem>> -> memref<!tpu.dma_semaphore, #tpu.memory_space<semaphore_mem>>
        tpu.enqueue_indirect_dma source(%dma_start3A_196 : memref<10000x128xf32, #tpu.memory_space<hbm>>) target(%dma_start3A_191 : memref<128x128xf32, #tpu.memory_space<vmem>>) offsets(%dma_start3A_194 : memref<128xi32, #tpu.memory_space<vmem>>) semaphore(%dma_start3A_198 : memref<!tpu.dma_semaphore, #tpu.memory_space<semaphore_mem>>)
      } else {
      }
      %dma_wait3A_134 = arith.constant 0 : i32
      %dma_wait3A_135 = arith.constant 0 : i32
      %dma_wait3A_136 = arith.constant 0 : i32
      %dma_wait3A_137 = tpu.memref_slice %arg13[%rem3A_76, %dma_wait3A_135, %dma_wait3A_136] : memref<2x128x128xf32, #tpu.memory_space<vmem>> -> memref<1x128x128xf32, #tpu.memory_space<vmem>>
      %dma_wait3A_138 = tpu.memref_squeeze %dma_wait3A_137 : memref<1x128x128xf32, #tpu.memory_space<vmem>> -> memref<128x128xf32, #tpu.memory_space<vmem>>
      %dma_wait3A_139 = arith.constant 0 : i32
      %dma_wait3A_140 = tpu.memref_slice %arg12[%dma_wait3A_134, %dma_wait3A_139] : memref<16x128xi32, #tpu.memory_space<vmem>> -> memref<1x128xi32, #tpu.memory_space<vmem>>
      %dma_wait3A_141 = tpu.memref_squeeze %dma_wait3A_140 : memref<1x128xi32, #tpu.memory_space<vmem>> -> memref<128xi32, #tpu.memory_space<vmem>>
      %dma_wait3A_142 = arith.constant 0 : i32
      %dma_wait3A_143 = tpu.memref_slice %arg2[%dma_wait3A_142, %multiple_of3A] : memref<10000x256xf32, #tpu.memory_space<hbm>> -> memref<10000x128xf32, #tpu.memory_space<hbm>>
      %dma_wait3A_144 = tpu.memref_slice %arg17[%rem3A_76] : memref<2x!tpu.dma_semaphore, #tpu.memory_space<semaphore_mem>> -> memref<1x!tpu.dma_semaphore, #tpu.memory_space<semaphore_mem>>
      %dma_wait3A_145 = tpu.memref_squeeze %dma_wait3A_144 : memref<1x!tpu.dma_semaphore, #tpu.memory_space<semaphore_mem>> -> memref<!tpu.dma_semaphore, #tpu.memory_space<semaphore_mem>>
      tpu.wait_indirect_dma semaphore(%dma_wait3A_145 : memref<!tpu.dma_semaphore, #tpu.memory_space<semaphore_mem>>) src(%dma_wait3A_143 : memref<10000x128xf32, #tpu.memory_space<hbm>>) dst(%dma_wait3A_138 : memref<128x128xf32, #tpu.memory_space<vmem>>)
      %dma_start3A = arith.constant 0 : i32
      %dma_start3A_146 = arith.constant 0 : i32
      %dma_start3A_147 = tpu.memref_slice %arg13[%rem3A_76, %dma_start3A, %dma_start3A_146] : memref<2x128x128xf32, #tpu.memory_space<vmem>> -> memref<1x128x128xf32, #tpu.memory_space<vmem>>
      %dma_start3A_148 = tpu.memref_squeeze %dma_start3A_147 : memref<1x128x128xf32, #tpu.memory_space<vmem>> -> memref<128x128xf32, #tpu.memory_space<vmem>>
      %dma_start3A_149 = arith.constant 0 : i32
      %dma_start3A_150 = tpu.memref_slice %arg11[%rem3A_78, %dma_start3A_149] : memref<16x128xi32, #tpu.memory_space<vmem>> -> memref<1x128xi32, #tpu.memory_space<vmem>>
      %dma_start3A_151 = tpu.memref_squeeze %dma_start3A_150 : memref<1x128xi32, #tpu.memory_space<vmem>> -> memref<128xi32, #tpu.memory_space<vmem>>
      %dma_start3A_152 = arith.constant 0 : i32
      %dma_start3A_153 = arith.constant 0 : i32
      %dma_start3A_154 = tpu.memref_slice %arg15[%dma_start3A_152, %dma_start3A_153] : memref<10240x128xf32, #tpu.memory_space<vmem_shared>> -> memref<10240x128xf32, #tpu.memory_space<vmem_shared>>
      %dma_start3A_155 = tpu.memref_slice %arg18[%rem3A_76] : memref<2x!tpu.dma_semaphore, #tpu.memory_space<semaphore_mem>> -> memref<1x!tpu.dma_semaphore, #tpu.memory_space<semaphore_mem>>
      %dma_start3A_156 = tpu.memref_squeeze %dma_start3A_155 : memref<1x!tpu.dma_semaphore, #tpu.memory_space<semaphore_mem>> -> memref<!tpu.dma_semaphore, #tpu.memory_space<semaphore_mem>>
      tpu.enqueue_indirect_dma source(%dma_start3A_148 : memref<128x128xf32, #tpu.memory_space<vmem>>) target(%dma_start3A_154 : memref<10240x128xf32, #tpu.memory_space<vmem_shared>>) offsets(%dma_start3A_151 : memref<128xi32, #tpu.memory_space<vmem>>) semaphore(%dma_start3A_156 : memref<!tpu.dma_semaphore, #tpu.memory_space<semaphore_mem>>) {add = true}
      %ge3A_157 = arith.constant 1 : i32
      %ge3A_158 = arith.cmpi sge, %add3A_74, %ge3A_157 : i32
      %convert_element_type3A_159 = arith.extui %ge3A_158 : i1 to i32
      %cond3A_160 = arith.constant 0 : i32
      %cond3A_161 = arith.cmpi ne, %convert_element_type3A_159, %cond3A_160 : i32
      scf.if %cond3A_161 {
        %sub3A_185 = arith.constant 1 : i32
        %sub3A_186 = arith.subi %sub3A_185, %rem3A_76 : i32
        %dma_wait3A_187 = arith.constant 0 : i32
        %dma_wait3A_188 = arith.constant 0 : i32
        %dma_wait3A_189 = arith.constant 0 : i32
        %dma_wait3A_190 = tpu.memref_slice %arg13[%sub3A_186, %dma_wait3A_188, %dma_wait3A_189] : memref<2x128x128xf32, #tpu.memory_space<vmem>> -> memref<1x128x128xf32, #tpu.memory_space<vmem>>
        %dma_wait3A_191 = tpu.memref_squeeze %dma_wait3A_190 : memref<1x128x128xf32, #tpu.memory_space<vmem>> -> memref<128x128xf32, #tpu.memory_space<vmem>>
        %dma_wait3A_192 = arith.constant 0 : i32
        %dma_wait3A_193 = tpu.memref_slice %arg11[%dma_wait3A_187, %dma_wait3A_192] : memref<16x128xi32, #tpu.memory_space<vmem>> -> memref<1x128xi32, #tpu.memory_space<vmem>>
        %dma_wait3A_194 = tpu.memref_squeeze %dma_wait3A_193 : memref<1x128xi32, #tpu.memory_space<vmem>> -> memref<128xi32, #tpu.memory_space<vmem>>
        %dma_wait3A_195 = arith.constant 0 : i32
        %dma_wait3A_196 = arith.constant 0 : i32
        %dma_wait3A_197 = tpu.memref_slice %arg15[%dma_wait3A_195, %dma_wait3A_196] : memref<10240x128xf32, #tpu.memory_space<vmem_shared>> -> memref<10240x128xf32, #tpu.memory_space<vmem_shared>>
        %dma_wait3A_198 = tpu.memref_slice %arg18[%sub3A_186] : memref<2x!tpu.dma_semaphore, #tpu.memory_space<semaphore_mem>> -> memref<1x!tpu.dma_semaphore, #tpu.memory_space<semaphore_mem>>
        %dma_wait3A_199 = tpu.memref_squeeze %dma_wait3A_198 : memref<1x!tpu.dma_semaphore, #tpu.memory_space<semaphore_mem>> -> memref<!tpu.dma_semaphore, #tpu.memory_space<semaphore_mem>>
        tpu.wait_indirect_dma semaphore(%dma_wait3A_199 : memref<!tpu.dma_semaphore, #tpu.memory_space<semaphore_mem>>) src(%dma_wait3A_191 : memref<128x128xf32, #tpu.memory_space<vmem>>) dst(%dma_wait3A_197 : memref<10240x128xf32, #tpu.memory_space<vmem_shared>>)
      } else {
      }
      %sub3A_162 = arith.constant 1 : i32
      %sub3A_163 = arith.subi %select_n3A, %sub3A_162 : i32
      %lt3A_164 = arith.cmpi slt, %add3A_74, %sub3A_163 : i32
      %convert_element_type3A_165 = arith.extui %lt3A_164 : i1 to i32
      %cond3A_166 = arith.constant 0 : i32
      %cond3A_167 = arith.cmpi ne, %convert_element_type3A_165, %cond3A_166 : i32
      scf.if %cond3A_167 {
        %add3A_185 = arith.constant 1 : i32
        %add3A_186 = arith.addi %add3A_74, %add3A_185 : i32
        %rem3A_187 = arith.constant 16 : i32
        %rem3A_188 = arith.remsi %add3A_186, %rem3A_187 : i32
        %sub3A_189 = arith.constant 1 : i32
        %sub3A_190 = arith.subi %sub3A_189, %rem3A_76 : i32
        %dma_start3A_191 = arith.constant 0 : i32
        %dma_start3A_192 = arith.constant 0 : i32
        %dma_start3A_193 = tpu.memref_slice %arg13[%sub3A_190, %dma_start3A_191, %dma_start3A_192] : memref<2x128x128xf32, #tpu.memory_space<vmem>> -> memref<1x128x128xf32, #tpu.memory_space<vmem>>
        %dma_start3A_194 = tpu.memref_squeeze %dma_start3A_193 : memref<1x128x128xf32, #tpu.memory_space<vmem>> -> memref<128x128xf32, #tpu.memory_space<vmem>>
        %dma_start3A_195 = arith.constant 0 : i32
        %dma_start3A_196 = tpu.memref_slice %arg12[%rem3A_188, %dma_start3A_195] : memref<16x128xi32, #tpu.memory_space<vmem>> -> memref<1x128xi32, #tpu.memory_space<vmem>>
        %dma_start3A_197 = tpu.memref_squeeze %dma_start3A_196 : memref<1x128xi32, #tpu.memory_space<vmem>> -> memref<128xi32, #tpu.memory_space<vmem>>
        %dma_start3A_198 = arith.constant 0 : i32
        %dma_start3A_199 = tpu.memref_slice %arg2[%dma_start3A_198, %multiple_of3A] : memref<10000x256xf32, #tpu.memory_space<hbm>> -> memref<10000x128xf32, #tpu.memory_space<hbm>>
        %dma_start3A_200 = tpu.memref_slice %arg17[%sub3A_190] : memref<2x!tpu.dma_semaphore, #tpu.memory_space<semaphore_mem>> -> memref<1x!tpu.dma_semaphore, #tpu.memory_space<semaphore_mem>>
        %dma_start3A_201 = tpu.memref_squeeze %dma_start3A_200 : memref<1x!tpu.dma_semaphore, #tpu.memory_space<semaphore_mem>> -> memref<!tpu.dma_semaphore, #tpu.memory_space<semaphore_mem>>
        tpu.enqueue_indirect_dma source(%dma_start3A_199 : memref<10000x128xf32, #tpu.memory_space<hbm>>) target(%dma_start3A_194 : memref<128x128xf32, #tpu.memory_space<vmem>>) offsets(%dma_start3A_197 : memref<128xi32, #tpu.memory_space<vmem>>) semaphore(%dma_start3A_201 : memref<!tpu.dma_semaphore, #tpu.memory_space<semaphore_mem>>)
      } else {
      }
      %rem3A_168 = arith.constant 8 : i32
      %rem3A_169 = arith.remsi %add3A_74, %rem3A_168 : i32
      %eq3A_170 = arith.constant 0 : i32
      %eq3A_171 = arith.cmpi eq, %rem3A_169, %eq3A_170 : i32
      %ge3A_172 = arith.constant 8 : i32
      %ge3A_173 = arith.cmpi sge, %add3A_74, %ge3A_172 : i32
      %add3A_174 = arith.constant 8 : i32
      %add3A_175 = arith.addi %add3A_74, %add3A_174 : i32
      %lt3A_176 = arith.cmpi slt, %add3A_175, %select_n3A : i32
      %and3A_177 = arith.andi %ge3A_173, %lt3A_176 : i1
      %and3A_178 = arith.andi %eq3A_171, %and3A_177 : i1
      %convert_element_type3A_179 = arith.extui %and3A_178 : i1 to i32
      %cond3A_180 = arith.constant 0 : i32
      %cond3A_181 = arith.cmpi ne, %convert_element_type3A_179, %cond3A_180 : i32
      scf.if %cond3A_181 {
        %add3A_185 = arith.constant 8 : i32
        %add3A_186 = arith.addi %add3A_74, %add3A_185 : i32
        %rem3A_187 = arith.constant 16 : i32
        %rem3A_188 = arith.remsi %add3A_186, %rem3A_187 : i32
        %multiple_of3A_189 = tpu.assume_multiple %rem3A_188, 8 : i32
        %add3A_190 = arith.constant 8 : i32
        %add3A_191 = arith.addi %add3A_74, %add3A_190 : i32
        %multiple_of3A_192 = tpu.assume_multiple %add3A_191, 8 : i32
        %add3A_193 = arith.addi %mul3A_2, %multiple_of3A_192 : i32
        "tpu.region"() ({
          %run_scoped3A = tpu.sem_alloc : memref<!tpu.dma_semaphore, #tpu.memory_space<semaphore_mem>>
          %dma_start3A_195 = arith.constant 0 : i32
          %dma_start3A_196 = tpu.memref_slice %arg11[%multiple_of3A_189, %dma_start3A_195] : memref<16x128xi32, #tpu.memory_space<vmem>> -> memref<8x128xi32, #tpu.memory_space<vmem>>
          %dma_start3A_197 = arith.constant 0 : i32
          %dma_start3A_198 = tpu.memref_slice %arg3[%add3A_193, %dma_start3A_197] : memref<1256x128xi32, #tpu.memory_space<hbm>> -> memref<8x128xi32, #tpu.memory_space<hbm>>
          %dma_start3A_199 = arith.constant 0 : i32
          %dma_start3A_200 = tpu.memref_slice %arg11[%multiple_of3A_189, %dma_start3A_199] : memref<16x128xi32, #tpu.memory_space<vmem>> -> memref<8x128xi32, #tpu.memory_space<vmem>>
          %dma_start3A_201 = arith.constant 0 : i32
          %dma_start3A_202 = tpu.memref_slice %arg3[%add3A_193, %dma_start3A_201] : memref<1256x128xi32, #tpu.memory_space<hbm>> -> memref<8x128xi32, #tpu.memory_space<hbm>>
          tpu.enqueue_dma source(%dma_start3A_202 : memref<8x128xi32, #tpu.memory_space<hbm>>) target(%dma_start3A_200 : memref<8x128xi32, #tpu.memory_space<vmem>>) target_semaphore(%run_scoped3A : memref<!tpu.dma_semaphore, #tpu.memory_space<semaphore_mem>>)
          %dma_wait3A_203 = arith.constant 0 : i32
          %dma_wait3A_204 = tpu.memref_slice %arg11[%multiple_of3A_189, %dma_wait3A_203] : memref<16x128xi32, #tpu.memory_space<vmem>> -> memref<8x128xi32, #tpu.memory_space<vmem>>
          %dma_wait3A_205 = arith.constant 0 : i32
          %dma_wait3A_206 = tpu.memref_slice %arg3[%add3A_193, %dma_wait3A_205] : memref<1256x128xi32, #tpu.memory_space<hbm>> -> memref<8x128xi32, #tpu.memory_space<hbm>>
          %dma_wait3A_207 = arith.constant 0 : i32
          %dma_wait3A_208 = tpu.memref_slice %arg11[%multiple_of3A_189, %dma_wait3A_207] : memref<16x128xi32, #tpu.memory_space<vmem>> -> memref<8x128xi32, #tpu.memory_space<vmem>>
          %dma_wait3A_209 = arith.constant 0 : i32
          %dma_wait3A_210 = tpu.memref_slice %arg3[%add3A_193, %dma_wait3A_209] : memref<1256x128xi32, #tpu.memory_space<hbm>> -> memref<8x128xi32, #tpu.memory_space<hbm>>
          tpu.wait_dma2 semaphore(%run_scoped3A : memref<!tpu.dma_semaphore, #tpu.memory_space<semaphore_mem>>) src(%dma_wait3A_210 : memref<8x128xi32, #tpu.memory_space<hbm>>) dst(%dma_wait3A_208 : memref<8x128xi32, #tpu.memory_space<vmem>>)
          tpu.yield
        }) : () -> ()
        %add3A_194 = arith.addi %mul3A_2, %multiple_of3A_192 : i32
        "tpu.region"() ({
          %run_scoped3A = tpu.sem_alloc : memref<!tpu.dma_semaphore, #tpu.memory_space<semaphore_mem>>
          %dma_start3A_195 = arith.constant 0 : i32
          %dma_start3A_196 = tpu.memref_slice %arg12[%multiple_of3A_189, %dma_start3A_195] : memref<16x128xi32, #tpu.memory_space<vmem>> -> memref<8x128xi32, #tpu.memory_space<vmem>>
          %dma_start3A_197 = arith.constant 0 : i32
          %dma_start3A_198 = tpu.memref_slice %arg4[%add3A_194, %dma_start3A_197] : memref<1256x128xi32, #tpu.memory_space<hbm>> -> memref<8x128xi32, #tpu.memory_space<hbm>>
          %dma_start3A_199 = arith.constant 0 : i32
          %dma_start3A_200 = tpu.memref_slice %arg12[%multiple_of3A_189, %dma_start3A_199] : memref<16x128xi32, #tpu.memory_space<vmem>> -> memref<8x128xi32, #tpu.memory_space<vmem>>
          %dma_start3A_201 = arith.constant 0 : i32
          %dma_start3A_202 = tpu.memref_slice %arg4[%add3A_194, %dma_start3A_201] : memref<1256x128xi32, #tpu.memory_space<hbm>> -> memref<8x128xi32, #tpu.memory_space<hbm>>
          tpu.enqueue_dma source(%dma_start3A_202 : memref<8x128xi32, #tpu.memory_space<hbm>>) target(%dma_start3A_200 : memref<8x128xi32, #tpu.memory_space<vmem>>) target_semaphore(%run_scoped3A : memref<!tpu.dma_semaphore, #tpu.memory_space<semaphore_mem>>)
          %dma_wait3A_203 = arith.constant 0 : i32
          %dma_wait3A_204 = tpu.memref_slice %arg12[%multiple_of3A_189, %dma_wait3A_203] : memref<16x128xi32, #tpu.memory_space<vmem>> -> memref<8x128xi32, #tpu.memory_space<vmem>>
          %dma_wait3A_205 = arith.constant 0 : i32
          %dma_wait3A_206 = tpu.memref_slice %arg4[%add3A_194, %dma_wait3A_205] : memref<1256x128xi32, #tpu.memory_space<hbm>> -> memref<8x128xi32, #tpu.memory_space<hbm>>
          %dma_wait3A_207 = arith.constant 0 : i32
          %dma_wait3A_208 = tpu.memref_slice %arg12[%multiple_of3A_189, %dma_wait3A_207] : memref<16x128xi32, #tpu.memory_space<vmem>> -> memref<8x128xi32, #tpu.memory_space<vmem>>
          %dma_wait3A_209 = arith.constant 0 : i32
          %dma_wait3A_210 = tpu.memref_slice %arg4[%add3A_194, %dma_wait3A_209] : memref<1256x128xi32, #tpu.memory_space<hbm>> -> memref<8x128xi32, #tpu.memory_space<hbm>>
          tpu.wait_dma2 semaphore(%run_scoped3A : memref<!tpu.dma_semaphore, #tpu.memory_space<semaphore_mem>>) src(%dma_wait3A_210 : memref<8x128xi32, #tpu.memory_space<hbm>>) dst(%dma_wait3A_208 : memref<8x128xi32, #tpu.memory_space<vmem>>)
          tpu.yield
        }) : () -> ()
      } else {
      }
      %convert_element_type3A_182 = arith.extui %select_n3A_128 : i1 to i32
      %cond3A_183 = arith.constant 0 : i32
      %cond3A_184 = arith.cmpi ne, %convert_element_type3A_182, %cond3A_183 : i32
      scf.if %cond3A_184 {
        "tpu.region"() ({
          %run_scoped3A = tpu.sem_alloc : memref<!tpu.dma_semaphore, #tpu.memory_space<semaphore_mem>>
          %dma_start3A_185 = arith.constant 0 : i32
          %dma_start3A_186 = tpu.memref_slice %arg11[%rem3A_78, %dma_start3A_185] : memref<16x128xi32, #tpu.memory_space<vmem>> -> memref<1x128xi32, #tpu.memory_space<vmem>>
          %dma_start3A_187 = tpu.memref_squeeze %dma_start3A_186 : memref<1x128xi32, #tpu.memory_space<vmem>> -> memref<128xi32, #tpu.memory_space<vmem>>
          %dma_start3A_188 = arith.constant 0 : i32
          %dma_start3A_189 = tpu.memref_slice %arg16[%dma_start3A_188] : memref<10240xf32, #tpu.memory_space<vmem_shared>> -> memref<10240xf32, #tpu.memory_space<vmem_shared>>
          tpu.enqueue_indirect_dma source(%arg14 : memref<128xf32, #tpu.memory_space<vmem>>) target(%dma_start3A_189 : memref<10240xf32, #tpu.memory_space<vmem_shared>>) offsets(%dma_start3A_187 : memref<128xi32, #tpu.memory_space<vmem>>) semaphore(%run_scoped3A : memref<!tpu.dma_semaphore, #tpu.memory_space<semaphore_mem>>) {add = true}
          %dma_wait3A_190 = arith.constant 0 : i32
          %dma_wait3A_191 = tpu.memref_slice %arg11[%rem3A_78, %dma_wait3A_190] : memref<16x128xi32, #tpu.memory_space<vmem>> -> memref<1x128xi32, #tpu.memory_space<vmem>>
          %dma_wait3A_192 = tpu.memref_squeeze %dma_wait3A_191 : memref<1x128xi32, #tpu.memory_space<vmem>> -> memref<128xi32, #tpu.memory_space<vmem>>
          %dma_wait3A_193 = arith.constant 0 : i32
          %dma_wait3A_194 = tpu.memref_slice %arg16[%dma_wait3A_193] : memref<10240xf32, #tpu.memory_space<vmem_shared>> -> memref<10240xf32, #tpu.memory_space<vmem_shared>>
          tpu.wait_indirect_dma semaphore(%run_scoped3A : memref<!tpu.dma_semaphore, #tpu.memory_space<semaphore_mem>>) src(%arg14 : memref<128xf32, #tpu.memory_space<vmem>>) dst(%dma_wait3A_194 : memref<10240xf32, #tpu.memory_space<vmem_shared>>)
          tpu.yield
        }) : () -> ()
      } else {
      }
    }
    %while3A_33 = arith.constant 1 : i32
    scf.for %while3A_72 = %while3A_31 to %while3A_27 step %while3A_33  : i32 {
      %mul3A_73 = arith.muli %while3A_72, %while3A : i32
      %add3A_74 = arith.addi %while3A_24, %mul3A_73 : i32
      %rem3A_75 = arith.constant 2 : i32
      %rem3A_76 = arith.remsi %add3A_74, %rem3A_75 : i32
      %rem3A_77 = arith.constant 16 : i32
      %rem3A_78 = arith.remsi %add3A_74, %rem3A_77 : i32
      %eq3A_79 = arith.constant 0 : i32
      %eq3A_80 = arith.cmpi eq, %arg0, %eq3A_79 : i32
      %jit3A_81 = arith.constant 2 : i32
      %div3A_82 = arith.divsi %select_n3A, %jit3A_81 : i32
      %sign3A = arith.constant 0 : i32
      %sign3A_83 = arith.cmpi sgt, %select_n3A, %sign3A : i32
      %sign3A_84 = arith.extui %sign3A_83 : i1 to i32
      %sign3A_85 = arith.constant 0 : i32
      %sign3A_86 = arith.cmpi slt, %select_n3A, %sign3A_85 : i32
      %sign3A_87 = arith.extui %sign3A_86 : i1 to i32
      %sign3A_88 = arith.subi %sign3A_84, %sign3A_87 : i32
      %sign3A_89 = arith.constant 0 : i32
      %sign3A_90 = arith.cmpi sgt, %jit3A_81, %sign3A_89 : i32
      %sign3A_91 = arith.extui %sign3A_90 : i1 to i32
      %sign3A_92 = arith.constant 0 : i32
      %sign3A_93 = arith.cmpi slt, %jit3A_81, %sign3A_92 : i32
      %sign3A_94 = arith.extui %sign3A_93 : i1 to i32
      %sign3A_95 = arith.subi %sign3A_91, %sign3A_94 : i32
      %ne3A = arith.cmpi ne, %sign3A_88, %sign3A_95 : i32
      %rem3A_96 = arith.remsi %select_n3A, %jit3A_81 : i32
      %ne3A_97 = arith.constant 0 : i32
      %ne3A_98 = arith.cmpi ne, %rem3A_96, %ne3A_97 : i32
      %and3A_99 = arith.andi %ne3A, %ne3A_98 : i1
      %sub3A_100 = arith.constant 1 : i32
      %sub3A_101 = arith.subi %div3A_82, %sub3A_100 : i32
      %select_n3A_102 = arith.select %and3A_99, %sub3A_101, %div3A_82 : i32
      %lt3A_103 = arith.cmpi slt, %add3A_74, %select_n3A_102 : i32
      %jit3A_104 = arith.constant 2 : i32
      %div3A_105 = arith.divsi %select_n3A, %jit3A_104 : i32
      %sign3A_106 = arith.constant 0 : i32
      %sign3A_107 = arith.cmpi sgt, %select_n3A, %sign3A_106 : i32
      %sign3A_108 = arith.extui %sign3A_107 : i1 to i32
      %sign3A_109 = arith.constant 0 : i32
      %sign3A_110 = arith.cmpi slt, %select_n3A, %sign3A_109 : i32
      %sign3A_111 = arith.extui %sign3A_110 : i1 to i32
      %sign3A_112 = arith.subi %sign3A_108, %sign3A_111 : i32
      %sign3A_113 = arith.constant 0 : i32
      %sign3A_114 = arith.cmpi sgt, %jit3A_104, %sign3A_113 : i32
      %sign3A_115 = arith.extui %sign3A_114 : i1 to i32
      %sign3A_116 = arith.constant 0 : i32
      %sign3A_117 = arith.cmpi slt, %jit3A_104, %sign3A_116 : i32
      %sign3A_118 = arith.extui %sign3A_117 : i1 to i32
      %sign3A_119 = arith.subi %sign3A_115, %sign3A_118 : i32
      %ne3A_120 = arith.cmpi ne, %sign3A_112, %sign3A_119 : i32
      %rem3A_121 = arith.remsi %select_n3A, %jit3A_104 : i32
      %ne3A_122 = arith.constant 0 : i32
      %ne3A_123 = arith.cmpi ne, %rem3A_121, %ne3A_122 : i32
      %and3A_124 = arith.andi %ne3A_120, %ne3A_123 : i1
      %sub3A_125 = arith.constant 1 : i32
      %sub3A_126 = arith.subi %div3A_105, %sub3A_125 : i32
      %select_n3A_127 = arith.select %and3A_124, %sub3A_126, %div3A_105 : i32
      %ge3A = arith.cmpi sge, %add3A_74, %select_n3A_127 : i32
      %select_n3A_128 = arith.select %eq3A_80, %lt3A_103, %ge3A : i1
      %eq3A_129 = arith.constant 0 : i32
      %eq3A_130 = arith.cmpi eq, %add3A_74, %eq3A_129 : i32
      %convert_element_type3A_131 = arith.extui %eq3A_130 : i1 to i32
      %cond3A_132 = arith.constant 0 : i32
      %cond3A_133 = arith.cmpi ne, %convert_element_type3A_131, %cond3A_132 : i32
      scf.if %cond3A_133 {
        %dma_start3A_185 = arith.constant 0 : i32
        %dma_start3A_186 = arith.constant 0 : i32
        %dma_start3A_187 = arith.constant 0 : i32
        %dma_start3A_188 = arith.constant 0 : i32
        %dma_start3A_189 = arith.constant 0 : i32
        %dma_start3A_190 = tpu.memref_slice %arg13[%dma_start3A_186, %dma_start3A_188, %dma_start3A_189] : memref<2x128x128xf32, #tpu.memory_space<vmem>> -> memref<1x128x128xf32, #tpu.memory_space<vmem>>
        %dma_start3A_191 = tpu.memref_squeeze %dma_start3A_190 : memref<1x128x128xf32, #tpu.memory_space<vmem>> -> memref<128x128xf32, #tpu.memory_space<vmem>>
        %dma_start3A_192 = arith.constant 0 : i32
        %dma_start3A_193 = tpu.memref_slice %arg12[%dma_start3A_185, %dma_start3A_192] : memref<16x128xi32, #tpu.memory_space<vmem>> -> memref<1x128xi32, #tpu.memory_space<vmem>>
        %dma_start3A_194 = tpu.memref_squeeze %dma_start3A_193 : memref<1x128xi32, #tpu.memory_space<vmem>> -> memref<128xi32, #tpu.memory_space<vmem>>
        %dma_start3A_195 = arith.constant 0 : i32
        %dma_start3A_196 = tpu.memref_slice %arg2[%dma_start3A_195, %multiple_of3A] : memref<10000x256xf32, #tpu.memory_space<hbm>> -> memref<10000x128xf32, #tpu.memory_space<hbm>>
        %dma_start3A_197 = tpu.memref_slice %arg17[%dma_start3A_187] : memref<2x!tpu.dma_semaphore, #tpu.memory_space<semaphore_mem>> -> memref<1x!tpu.dma_semaphore, #tpu.memory_space<semaphore_mem>>
        %dma_start3A_198 = tpu.memref_squeeze %dma_start3A_197 : memref<1x!tpu.dma_semaphore, #tpu.memory_space<semaphore_mem>> -> memref<!tpu.dma_semaphore, #tpu.memory_space<semaphore_mem>>
        tpu.enqueue_indirect_dma source(%dma_start3A_196 : memref<10000x128xf32, #tpu.memory_space<hbm>>) target(%dma_start3A_191 : memref<128x128xf32, #tpu.memory_space<vmem>>) offsets(%dma_start3A_194 : memref<128xi32, #tpu.memory_space<vmem>>) semaphore(%dma_start3A_198 : memref<!tpu.dma_semaphore, #tpu.memory_space<semaphore_mem>>)
      } else {
      }
      %dma_wait3A_134 = arith.constant 0 : i32
      %dma_wait3A_135 = arith.constant 0 : i32
      %dma_wait3A_136 = arith.constant 0 : i32
      %dma_wait3A_137 = tpu.memref_slice %arg13[%rem3A_76, %dma_wait3A_135, %dma_wait3A_136] : memref<2x128x128xf32, #tpu.memory_space<vmem>> -> memref<1x128x128xf32, #tpu.memory_space<vmem>>
      %dma_wait3A_138 = tpu.memref_squeeze %dma_wait3A_137 : memref<1x128x128xf32, #tpu.memory_space<vmem>> -> memref<128x128xf32, #tpu.memory_space<vmem>>
      %dma_wait3A_139 = arith.constant 0 : i32
      %dma_wait3A_140 = tpu.memref_slice %arg12[%dma_wait3A_134, %dma_wait3A_139] : memref<16x128xi32, #tpu.memory_space<vmem>> -> memref<1x128xi32, #tpu.memory_space<vmem>>
      %dma_wait3A_141 = tpu.memref_squeeze %dma_wait3A_140 : memref<1x128xi32, #tpu.memory_space<vmem>> -> memref<128xi32, #tpu.memory_space<vmem>>
      %dma_wait3A_142 = arith.constant 0 : i32
      %dma_wait3A_143 = tpu.memref_slice %arg2[%dma_wait3A_142, %multiple_of3A] : memref<10000x256xf32, #tpu.memory_space<hbm>> -> memref<10000x128xf32, #tpu.memory_space<hbm>>
      %dma_wait3A_144 = tpu.memref_slice %arg17[%rem3A_76] : memref<2x!tpu.dma_semaphore, #tpu.memory_space<semaphore_mem>> -> memref<1x!tpu.dma_semaphore, #tpu.memory_space<semaphore_mem>>
      %dma_wait3A_145 = tpu.memref_squeeze %dma_wait3A_144 : memref<1x!tpu.dma_semaphore, #tpu.memory_space<semaphore_mem>> -> memref<!tpu.dma_semaphore, #tpu.memory_space<semaphore_mem>>
      tpu.wait_indirect_dma semaphore(%dma_wait3A_145 : memref<!tpu.dma_semaphore, #tpu.memory_space<semaphore_mem>>) src(%dma_wait3A_143 : memref<10000x128xf32, #tpu.memory_space<hbm>>) dst(%dma_wait3A_138 : memref<128x128xf32, #tpu.memory_space<vmem>>)
      %dma_start3A = arith.constant 0 : i32
      %dma_start3A_146 = arith.constant 0 : i32
      %dma_start3A_147 = tpu.memref_slice %arg13[%rem3A_76, %dma_start3A, %dma_start3A_146] : memref<2x128x128xf32, #tpu.memory_space<vmem>> -> memref<1x128x128xf32, #tpu.memory_space<vmem>>
      %dma_start3A_148 = tpu.memref_squeeze %dma_start3A_147 : memref<1x128x128xf32, #tpu.memory_space<vmem>> -> memref<128x128xf32, #tpu.memory_space<vmem>>
      %dma_start3A_149 = arith.constant 0 : i32
      %dma_start3A_150 = tpu.memref_slice %arg11[%rem3A_78, %dma_start3A_149] : memref<16x128xi32, #tpu.memory_space<vmem>> -> memref<1x128xi32, #tpu.memory_space<vmem>>
      %dma_start3A_151 = tpu.memref_squeeze %dma_start3A_150 : memref<1x128xi32, #tpu.memory_space<vmem>> -> memref<128xi32, #tpu.memory_space<vmem>>
      %dma_start3A_152 = arith.constant 0 : i32
      %dma_start3A_153 = arith.constant 0 : i32
      %dma_start3A_154 = tpu.memref_slice %arg15[%dma_start3A_152, %dma_start3A_153] : memref<10240x128xf32, #tpu.memory_space<vmem_shared>> -> memref<10240x128xf32, #tpu.memory_space<vmem_shared>>
      %dma_start3A_155 = tpu.memref_slice %arg18[%rem3A_76] : memref<2x!tpu.dma_semaphore, #tpu.memory_space<semaphore_mem>> -> memref<1x!tpu.dma_semaphore, #tpu.memory_space<semaphore_mem>>
      %dma_start3A_156 = tpu.memref_squeeze %dma_start3A_155 : memref<1x!tpu.dma_semaphore, #tpu.memory_space<semaphore_mem>> -> memref<!tpu.dma_semaphore, #tpu.memory_space<semaphore_mem>>
      tpu.enqueue_indirect_dma source(%dma_start3A_148 : memref<128x128xf32, #tpu.memory_space<vmem>>) target(%dma_start3A_154 : memref<10240x128xf32, #tpu.memory_space<vmem_shared>>) offsets(%dma_start3A_151 : memref<128xi32, #tpu.memory_space<vmem>>) semaphore(%dma_start3A_156 : memref<!tpu.dma_semaphore, #tpu.memory_space<semaphore_mem>>) {add = true}
      %ge3A_157 = arith.constant 1 : i32
      %ge3A_158 = arith.cmpi sge, %add3A_74, %ge3A_157 : i32
      %convert_element_type3A_159 = arith.extui %ge3A_158 : i1 to i32
      %cond3A_160 = arith.constant 0 : i32
      %cond3A_161 = arith.cmpi ne, %convert_element_type3A_159, %cond3A_160 : i32
      scf.if %cond3A_161 {
        %sub3A_185 = arith.constant 1 : i32
        %sub3A_186 = arith.subi %sub3A_185, %rem3A_76 : i32
        %dma_wait3A_187 = arith.constant 0 : i32
        %dma_wait3A_188 = arith.constant 0 : i32
        %dma_wait3A_189 = arith.constant 0 : i32
        %dma_wait3A_190 = tpu.memref_slice %arg13[%sub3A_186, %dma_wait3A_188, %dma_wait3A_189] : memref<2x128x128xf32, #tpu.memory_space<vmem>> -> memref<1x128x128xf32, #tpu.memory_space<vmem>>
        %dma_wait3A_191 = tpu.memref_squeeze %dma_wait3A_190 : memref<1x128x128xf32, #tpu.memory_space<vmem>> -> memref<128x128xf32, #tpu.memory_space<vmem>>
        %dma_wait3A_192 = arith.constant 0 : i32
        %dma_wait3A_193 = tpu.memref_slice %arg11[%dma_wait3A_187, %dma_wait3A_192] : memref<16x128xi32, #tpu.memory_space<vmem>> -> memref<1x128xi32, #tpu.memory_space<vmem>>
        %dma_wait3A_194 = tpu.memref_squeeze %dma_wait3A_193 : memref<1x128xi32, #tpu.memory_space<vmem>> -> memref<128xi32, #tpu.memory_space<vmem>>
        %dma_wait3A_195 = arith.constant 0 : i32
        %dma_wait3A_196 = arith.constant 0 : i32
        %dma_wait3A_197 = tpu.memref_slice %arg15[%dma_wait3A_195, %dma_wait3A_196] : memref<10240x128xf32, #tpu.memory_space<vmem_shared>> -> memref<10240x128xf32, #tpu.memory_space<vmem_shared>>
        %dma_wait3A_198 = tpu.memref_slice %arg18[%sub3A_186] : memref<2x!tpu.dma_semaphore, #tpu.memory_space<semaphore_mem>> -> memref<1x!tpu.dma_semaphore, #tpu.memory_space<semaphore_mem>>
        %dma_wait3A_199 = tpu.memref_squeeze %dma_wait3A_198 : memref<1x!tpu.dma_semaphore, #tpu.memory_space<semaphore_mem>> -> memref<!tpu.dma_semaphore, #tpu.memory_space<semaphore_mem>>
        tpu.wait_indirect_dma semaphore(%dma_wait3A_199 : memref<!tpu.dma_semaphore, #tpu.memory_space<semaphore_mem>>) src(%dma_wait3A_191 : memref<128x128xf32, #tpu.memory_space<vmem>>) dst(%dma_wait3A_197 : memref<10240x128xf32, #tpu.memory_space<vmem_shared>>)
      } else {
      }
      %sub3A_162 = arith.constant 1 : i32
      %sub3A_163 = arith.subi %select_n3A, %sub3A_162 : i32
      %lt3A_164 = arith.cmpi slt, %add3A_74, %sub3A_163 : i32
      %convert_element_type3A_165 = arith.extui %lt3A_164 : i1 to i32
      %cond3A_166 = arith.constant 0 : i32
      %cond3A_167 = arith.cmpi ne, %convert_element_type3A_165, %cond3A_166 : i32
      scf.if %cond3A_167 {
        %add3A_185 = arith.constant 1 : i32
        %add3A_186 = arith.addi %add3A_74, %add3A_185 : i32
        %rem3A_187 = arith.constant 16 : i32
        %rem3A_188 = arith.remsi %add3A_186, %rem3A_187 : i32
        %sub3A_189 = arith.constant 1 : i32
        %sub3A_190 = arith.subi %sub3A_189, %rem3A_76 : i32
        %dma_start3A_191 = arith.constant 0 : i32
        %dma_start3A_192 = arith.constant 0 : i32
        %dma_start3A_193 = tpu.memref_slice %arg13[%sub3A_190, %dma_start3A_191, %dma_start3A_192] : memref<2x128x128xf32, #tpu.memory_space<vmem>> -> memref<1x128x128xf32, #tpu.memory_space<vmem>>
        %dma_start3A_194 = tpu.memref_squeeze %dma_start3A_193 : memref<1x128x128xf32, #tpu.memory_space<vmem>> -> memref<128x128xf32, #tpu.memory_space<vmem>>
        %dma_start3A_195 = arith.constant 0 : i32
        %dma_start3A_196 = tpu.memref_slice %arg12[%rem3A_188, %dma_start3A_195] : memref<16x128xi32, #tpu.memory_space<vmem>> -> memref<1x128xi32, #tpu.memory_space<vmem>>
        %dma_start3A_197 = tpu.memref_squeeze %dma_start3A_196 : memref<1x128xi32, #tpu.memory_space<vmem>> -> memref<128xi32, #tpu.memory_space<vmem>>
        %dma_start3A_198 = arith.constant 0 : i32
        %dma_start3A_199 = tpu.memref_slice %arg2[%dma_start3A_198, %multiple_of3A] : memref<10000x256xf32, #tpu.memory_space<hbm>> -> memref<10000x128xf32, #tpu.memory_space<hbm>>
        %dma_start3A_200 = tpu.memref_slice %arg17[%sub3A_190] : memref<2x!tpu.dma_semaphore, #tpu.memory_space<semaphore_mem>> -> memref<1x!tpu.dma_semaphore, #tpu.memory_space<semaphore_mem>>
        %dma_start3A_201 = tpu.memref_squeeze %dma_start3A_200 : memref<1x!tpu.dma_semaphore, #tpu.memory_space<semaphore_mem>> -> memref<!tpu.dma_semaphore, #tpu.memory_space<semaphore_mem>>
        tpu.enqueue_indirect_dma source(%dma_start3A_199 : memref<10000x128xf32, #tpu.memory_space<hbm>>) target(%dma_start3A_194 : memref<128x128xf32, #tpu.memory_space<vmem>>) offsets(%dma_start3A_197 : memref<128xi32, #tpu.memory_space<vmem>>) semaphore(%dma_start3A_201 : memref<!tpu.dma_semaphore, #tpu.memory_space<semaphore_mem>>)
      } else {
      }
      %rem3A_168 = arith.constant 8 : i32
      %rem3A_169 = arith.remsi %add3A_74, %rem3A_168 : i32
      %eq3A_170 = arith.constant 0 : i32
      %eq3A_171 = arith.cmpi eq, %rem3A_169, %eq3A_170 : i32
      %ge3A_172 = arith.constant 8 : i32
      %ge3A_173 = arith.cmpi sge, %add3A_74, %ge3A_172 : i32
      %add3A_174 = arith.constant 8 : i32
      %add3A_175 = arith.addi %add3A_74, %add3A_174 : i32
      %lt3A_176 = arith.cmpi slt, %add3A_175, %select_n3A : i32
      %and3A_177 = arith.andi %ge3A_173, %lt3A_176 : i1
      %and3A_178 = arith.andi %eq3A_171, %and3A_177 : i1
      %convert_element_type3A_179 = arith.extui %and3A_178 : i1 to i32
      %cond3A_180 = arith.constant 0 : i32
      %cond3A_181 = arith.cmpi ne, %convert_element_type3A_179, %cond3A_180 : i32
      scf.if %cond3A_181 {
        %add3A_185 = arith.constant 8 : i32
        %add3A_186 = arith.addi %add3A_74, %add3A_185 : i32
        %rem3A_187 = arith.constant 16 : i32
        %rem3A_188 = arith.remsi %add3A_186, %rem3A_187 : i32
        %multiple_of3A_189 = tpu.assume_multiple %rem3A_188, 8 : i32
        %add3A_190 = arith.constant 8 : i32
        %add3A_191 = arith.addi %add3A_74, %add3A_190 : i32
        %multiple_of3A_192 = tpu.assume_multiple %add3A_191, 8 : i32
        %add3A_193 = arith.addi %mul3A_2, %multiple_of3A_192 : i32
        "tpu.region"() ({
          %run_scoped3A = tpu.sem_alloc : memref<!tpu.dma_semaphore, #tpu.memory_space<semaphore_mem>>
          %dma_start3A_195 = arith.constant 0 : i32
          %dma_start3A_196 = tpu.memref_slice %arg11[%multiple_of3A_189, %dma_start3A_195] : memref<16x128xi32, #tpu.memory_space<vmem>> -> memref<8x128xi32, #tpu.memory_space<vmem>>
          %dma_start3A_197 = arith.constant 0 : i32
          %dma_start3A_198 = tpu.memref_slice %arg3[%add3A_193, %dma_start3A_197] : memref<1256x128xi32, #tpu.memory_space<hbm>> -> memref<8x128xi32, #tpu.memory_space<hbm>>
          %dma_start3A_199 = arith.constant 0 : i32
          %dma_start3A_200 = tpu.memref_slice %arg11[%multiple_of3A_189, %dma_start3A_199] : memref<16x128xi32, #tpu.memory_space<vmem>> -> memref<8x128xi32, #tpu.memory_space<vmem>>
          %dma_start3A_201 = arith.constant 0 : i32
          %dma_start3A_202 = tpu.memref_slice %arg3[%add3A_193, %dma_start3A_201] : memref<1256x128xi32, #tpu.memory_space<hbm>> -> memref<8x128xi32, #tpu.memory_space<hbm>>
          tpu.enqueue_dma source(%dma_start3A_202 : memref<8x128xi32, #tpu.memory_space<hbm>>) target(%dma_start3A_200 : memref<8x128xi32, #tpu.memory_space<vmem>>) target_semaphore(%run_scoped3A : memref<!tpu.dma_semaphore, #tpu.memory_space<semaphore_mem>>)
          %dma_wait3A_203 = arith.constant 0 : i32
          %dma_wait3A_204 = tpu.memref_slice %arg11[%multiple_of3A_189, %dma_wait3A_203] : memref<16x128xi32, #tpu.memory_space<vmem>> -> memref<8x128xi32, #tpu.memory_space<vmem>>
          %dma_wait3A_205 = arith.constant 0 : i32
          %dma_wait3A_206 = tpu.memref_slice %arg3[%add3A_193, %dma_wait3A_205] : memref<1256x128xi32, #tpu.memory_space<hbm>> -> memref<8x128xi32, #tpu.memory_space<hbm>>
          %dma_wait3A_207 = arith.constant 0 : i32
          %dma_wait3A_208 = tpu.memref_slice %arg11[%multiple_of3A_189, %dma_wait3A_207] : memref<16x128xi32, #tpu.memory_space<vmem>> -> memref<8x128xi32, #tpu.memory_space<vmem>>
          %dma_wait3A_209 = arith.constant 0 : i32
          %dma_wait3A_210 = tpu.memref_slice %arg3[%add3A_193, %dma_wait3A_209] : memref<1256x128xi32, #tpu.memory_space<hbm>> -> memref<8x128xi32, #tpu.memory_space<hbm>>
          tpu.wait_dma2 semaphore(%run_scoped3A : memref<!tpu.dma_semaphore, #tpu.memory_space<semaphore_mem>>) src(%dma_wait3A_210 : memref<8x128xi32, #tpu.memory_space<hbm>>) dst(%dma_wait3A_208 : memref<8x128xi32, #tpu.memory_space<vmem>>)
          tpu.yield
        }) : () -> ()
        %add3A_194 = arith.addi %mul3A_2, %multiple_of3A_192 : i32
        "tpu.region"() ({
          %run_scoped3A = tpu.sem_alloc : memref<!tpu.dma_semaphore, #tpu.memory_space<semaphore_mem>>
          %dma_start3A_195 = arith.constant 0 : i32
          %dma_start3A_196 = tpu.memref_slice %arg12[%multiple_of3A_189, %dma_start3A_195] : memref<16x128xi32, #tpu.memory_space<vmem>> -> memref<8x128xi32, #tpu.memory_space<vmem>>
          %dma_start3A_197 = arith.constant 0 : i32
          %dma_start3A_198 = tpu.memref_slice %arg4[%add3A_194, %dma_start3A_197] : memref<1256x128xi32, #tpu.memory_space<hbm>> -> memref<8x128xi32, #tpu.memory_space<hbm>>
          %dma_start3A_199 = arith.constant 0 : i32
          %dma_start3A_200 = tpu.memref_slice %arg12[%multiple_of3A_189, %dma_start3A_199] : memref<16x128xi32, #tpu.memory_space<vmem>> -> memref<8x128xi32, #tpu.memory_space<vmem>>
          %dma_start3A_201 = arith.constant 0 : i32
          %dma_start3A_202 = tpu.memref_slice %arg4[%add3A_194, %dma_start3A_201] : memref<1256x128xi32, #tpu.memory_space<hbm>> -> memref<8x128xi32, #tpu.memory_space<hbm>>
          tpu.enqueue_dma source(%dma_start3A_202 : memref<8x128xi32, #tpu.memory_space<hbm>>) target(%dma_start3A_200 : memref<8x128xi32, #tpu.memory_space<vmem>>) target_semaphore(%run_scoped3A : memref<!tpu.dma_semaphore, #tpu.memory_space<semaphore_mem>>)
          %dma_wait3A_203 = arith.constant 0 : i32
          %dma_wait3A_204 = tpu.memref_slice %arg12[%multiple_of3A_189, %dma_wait3A_203] : memref<16x128xi32, #tpu.memory_space<vmem>> -> memref<8x128xi32, #tpu.memory_space<vmem>>
          %dma_wait3A_205 = arith.constant 0 : i32
          %dma_wait3A_206 = tpu.memref_slice %arg4[%add3A_194, %dma_wait3A_205] : memref<1256x128xi32, #tpu.memory_space<hbm>> -> memref<8x128xi32, #tpu.memory_space<hbm>>
          %dma_wait3A_207 = arith.constant 0 : i32
          %dma_wait3A_208 = tpu.memref_slice %arg12[%multiple_of3A_189, %dma_wait3A_207] : memref<16x128xi32, #tpu.memory_space<vmem>> -> memref<8x128xi32, #tpu.memory_space<vmem>>
          %dma_wait3A_209 = arith.constant 0 : i32
          %dma_wait3A_210 = tpu.memref_slice %arg4[%add3A_194, %dma_wait3A_209] : memref<1256x128xi32, #tpu.memory_space<hbm>> -> memref<8x128xi32, #tpu.memory_space<hbm>>
          tpu.wait_dma2 semaphore(%run_scoped3A : memref<!tpu.dma_semaphore, #tpu.memory_space<semaphore_mem>>) src(%dma_wait3A_210 : memref<8x128xi32, #tpu.memory_space<hbm>>) dst(%dma_wait3A_208 : memref<8x128xi32, #tpu.memory_space<vmem>>)
          tpu.yield
        }) : () -> ()
      } else {
      }
      %convert_element_type3A_182 = arith.extui %select_n3A_128 : i1 to i32
      %cond3A_183 = arith.constant 0 : i32
      %cond3A_184 = arith.cmpi ne, %convert_element_type3A_182, %cond3A_183 : i32
      scf.if %cond3A_184 {
        "tpu.region"() ({
          %run_scoped3A = tpu.sem_alloc : memref<!tpu.dma_semaphore, #tpu.memory_space<semaphore_mem>>
          %dma_start3A_185 = arith.constant 0 : i32
          %dma_start3A_186 = tpu.memref_slice %arg11[%rem3A_78, %dma_start3A_185] : memref<16x128xi32, #tpu.memory_space<vmem>> -> memref<1x128xi32, #tpu.memory_space<vmem>>
          %dma_start3A_187 = tpu.memref_squeeze %dma_start3A_186 : memref<1x128xi32, #tpu.memory_space<vmem>> -> memref<128xi32, #tpu.memory_space<vmem>>
          %dma_start3A_188 = arith.constant 0 : i32
          %dma_start3A_189 = tpu.memref_slice %arg16[%dma_start3A_188] : memref<10240xf32, #tpu.memory_space<vmem_shared>> -> memref<10240xf32, #tpu.memory_space<vmem_shared>>
          tpu.enqueue_indirect_dma source(%arg14 : memref<128xf32, #tpu.memory_space<vmem>>) target(%dma_start3A_189 : memref<10240xf32, #tpu.memory_space<vmem_shared>>) offsets(%dma_start3A_187 : memref<128xi32, #tpu.memory_space<vmem>>) semaphore(%run_scoped3A : memref<!tpu.dma_semaphore, #tpu.memory_space<semaphore_mem>>) {add = true}
          %dma_wait3A_190 = arith.constant 0 : i32
          %dma_wait3A_191 = tpu.memref_slice %arg11[%rem3A_78, %dma_wait3A_190] : memref<16x128xi32, #tpu.memory_space<vmem>> -> memref<1x128xi32, #tpu.memory_space<vmem>>
          %dma_wait3A_192 = tpu.memref_squeeze %dma_wait3A_191 : memref<1x128xi32, #tpu.memory_space<vmem>> -> memref<128xi32, #tpu.memory_space<vmem>>
          %dma_wait3A_193 = arith.constant 0 : i32
          %dma_wait3A_194 = tpu.memref_slice %arg16[%dma_wait3A_193] : memref<10240xf32, #tpu.memory_space<vmem_shared>> -> memref<10240xf32, #tpu.memory_space<vmem_shared>>
          tpu.wait_indirect_dma semaphore(%run_scoped3A : memref<!tpu.dma_semaphore, #tpu.memory_space<semaphore_mem>>) src(%arg14 : memref<128xf32, #tpu.memory_space<vmem>>) dst(%dma_wait3A_194 : memref<10240xf32, #tpu.memory_space<vmem_shared>>)
          tpu.yield
        }) : () -> ()
      } else {
      }
    }
    %sub3A_34 = arith.constant 1 : i32
    %sub3A_35 = arith.subi %select_n3A, %sub3A_34 : i32
    %rem3A = arith.constant 2 : i32
    %rem3A_36 = arith.remsi %sub3A_35, %rem3A : i32
    %dma_wait3A = arith.constant 0 : i32
    %dma_wait3A_37 = arith.constant 0 : i32
    %dma_wait3A_38 = arith.constant 0 : i32
    %dma_wait3A_39 = tpu.memref_slice %arg13[%rem3A_36, %dma_wait3A_37, %dma_wait3A_38] : memref<2x128x128xf32, #tpu.memory_space<vmem>> -> memref<1x128x128xf32, #tpu.memory_space<vmem>>
    %dma_wait3A_40 = tpu.memref_squeeze %dma_wait3A_39 : memref<1x128x128xf32, #tpu.memory_space<vmem>> -> memref<128x128xf32, #tpu.memory_space<vmem>>
    %dma_wait3A_41 = arith.constant 0 : i32
    %dma_wait3A_42 = tpu.memref_slice %arg11[%dma_wait3A, %dma_wait3A_41] : memref<16x128xi32, #tpu.memory_space<vmem>> -> memref<1x128xi32, #tpu.memory_space<vmem>>
    %dma_wait3A_43 = tpu.memref_squeeze %dma_wait3A_42 : memref<1x128xi32, #tpu.memory_space<vmem>> -> memref<128xi32, #tpu.memory_space<vmem>>
    %dma_wait3A_44 = arith.constant 0 : i32
    %dma_wait3A_45 = arith.constant 0 : i32
    %dma_wait3A_46 = tpu.memref_slice %arg15[%dma_wait3A_44, %dma_wait3A_45] : memref<10240x128xf32, #tpu.memory_space<vmem_shared>> -> memref<10240x128xf32, #tpu.memory_space<vmem_shared>>
    %dma_wait3A_47 = tpu.memref_slice %arg18[%rem3A_36] : memref<2x!tpu.dma_semaphore, #tpu.memory_space<semaphore_mem>> -> memref<1x!tpu.dma_semaphore, #tpu.memory_space<semaphore_mem>>
    %dma_wait3A_48 = tpu.memref_squeeze %dma_wait3A_47 : memref<1x!tpu.dma_semaphore, #tpu.memory_space<semaphore_mem>> -> memref<!tpu.dma_semaphore, #tpu.memory_space<semaphore_mem>>
    tpu.wait_indirect_dma semaphore(%dma_wait3A_48 : memref<!tpu.dma_semaphore, #tpu.memory_space<semaphore_mem>>) src(%dma_wait3A_40 : memref<128x128xf32, #tpu.memory_space<vmem>>) dst(%dma_wait3A_46 : memref<10240x128xf32, #tpu.memory_space<vmem_shared>>)
    %barrier3A_49 = arith.constant 0 : index
    tpu.barrier barrier_id(%barrier3A_49)
    %lt3A_50 = arith.constant 15 : i32
    %lt3A_51 = arith.cmpi slt, %arg1, %lt3A_50 : i32
    %convert_element_type3A = arith.extui %lt3A_51 : i1 to i32
    %cond3A = arith.constant 0 : i32
    %cond3A_52 = arith.cmpi ne, %convert_element_type3A, %cond3A : i32
    scf.if %cond3A_52 {
      %mul3A_72 = arith.constant 640 : i32
      %mul3A_73 = arith.muli %arg1, %mul3A_72 : i32
      %mul3A_74 = arith.constant 640 : i32
      %mul3A_75 = arith.muli %arg1, %mul3A_74 : i32
      "tpu.region"() ({
        %run_scoped3A = tpu.sem_alloc : memref<!tpu.dma_semaphore, #tpu.memory_space<semaphore_mem>>
        %dma_start3A = arith.constant 0 : i32
        %dma_start3A_76 = tpu.memref_slice %arg8[%arg0, %mul3A_75, %dma_start3A] : memref<2x10000x128xf32, #tpu.memory_space<hbm>> -> memref<1x640x128xf32, #tpu.memory_space<hbm>>
        %dma_start3A_77 = tpu.memref_squeeze %dma_start3A_76 : memref<1x640x128xf32, #tpu.memory_space<hbm>> -> memref<640x128xf32, #tpu.memory_space<hbm>>
        %dma_start3A_78 = arith.constant 0 : i32
        %dma_start3A_79 = tpu.memref_slice %arg15[%mul3A_73, %dma_start3A_78] : memref<10240x128xf32, #tpu.memory_space<vmem_shared>> -> memref<640x128xf32, #tpu.memory_space<vmem_shared>>
        tpu.enqueue_dma source(%dma_start3A_79 : memref<640x128xf32, #tpu.memory_space<vmem_shared>>) target(%dma_start3A_77 : memref<640x128xf32, #tpu.memory_space<hbm>>) target_semaphore(%run_scoped3A : memref<!tpu.dma_semaphore, #tpu.memory_space<semaphore_mem>>)
        %dma_wait3A_80 = arith.constant 0 : i32
        %dma_wait3A_81 = tpu.memref_slice %arg8[%arg0, %mul3A_75, %dma_wait3A_80] : memref<2x10000x128xf32, #tpu.memory_space<hbm>> -> memref<1x640x128xf32, #tpu.memory_space<hbm>>
        %dma_wait3A_82 = tpu.memref_squeeze %dma_wait3A_81 : memref<1x640x128xf32, #tpu.memory_space<hbm>> -> memref<640x128xf32, #tpu.memory_space<hbm>>
        %dma_wait3A_83 = arith.constant 0 : i32
        %dma_wait3A_84 = tpu.memref_slice %arg15[%mul3A_73, %dma_wait3A_83] : memref<10240x128xf32, #tpu.memory_space<vmem_shared>> -> memref<640x128xf32, #tpu.memory_space<vmem_shared>>
        tpu.wait_dma2 semaphore(%run_scoped3A : memref<!tpu.dma_semaphore, #tpu.memory_space<semaphore_mem>>) src(%dma_wait3A_84 : memref<640x128xf32, #tpu.memory_space<vmem_shared>>) dst(%dma_wait3A_82 : memref<640x128xf32, #tpu.memory_space<hbm>>)
        tpu.yield
      }) : () -> ()
    } else {
    }
    %eq3A = arith.constant 15 : i32
    %eq3A_53 = arith.cmpi eq, %arg1, %eq3A : i32
    %convert_element_type3A_54 = arith.extui %eq3A_53 : i1 to i32
    %cond3A_55 = arith.constant 0 : i32
    %cond3A_56 = arith.cmpi ne, %convert_element_type3A_54, %cond3A_55 : i32
    scf.if %cond3A_56 {
      "tpu.region"() ({
        %run_scoped3A = tpu.sem_alloc : memref<!tpu.dma_semaphore, #tpu.memory_space<semaphore_mem>>
        %dma_start3A = arith.constant 9600 : i32
        %dma_start3A_72 = arith.constant 0 : i32
        %dma_start3A_73 = tpu.memref_slice %arg8[%arg0, %dma_start3A, %dma_start3A_72] : memref<2x10000x128xf32, #tpu.memory_space<hbm>> -> memref<1x400x128xf32, #tpu.memory_space<hbm>>
        %dma_start3A_74 = tpu.memref_squeeze %dma_start3A_73 : memref<1x400x128xf32, #tpu.memory_space<hbm>> -> memref<400x128xf32, #tpu.memory_space<hbm>>
        %dma_start3A_75 = arith.constant 9600 : i32
        %dma_start3A_76 = arith.constant 0 : i32
        %dma_start3A_77 = tpu.memref_slice %arg15[%dma_start3A_75, %dma_start3A_76] : memref<10240x128xf32, #tpu.memory_space<vmem_shared>> -> memref<400x128xf32, #tpu.memory_space<vmem_shared>>
        tpu.enqueue_dma source(%dma_start3A_77 : memref<400x128xf32, #tpu.memory_space<vmem_shared>>) target(%dma_start3A_74 : memref<400x128xf32, #tpu.memory_space<hbm>>) target_semaphore(%run_scoped3A : memref<!tpu.dma_semaphore, #tpu.memory_space<semaphore_mem>>)
        %dma_wait3A_78 = arith.constant 9600 : i32
        %dma_wait3A_79 = arith.constant 0 : i32
        %dma_wait3A_80 = tpu.memref_slice %arg8[%arg0, %dma_wait3A_78, %dma_wait3A_79] : memref<2x10000x128xf32, #tpu.memory_space<hbm>> -> memref<1x400x128xf32, #tpu.memory_space<hbm>>
        %dma_wait3A_81 = tpu.memref_squeeze %dma_wait3A_80 : memref<1x400x128xf32, #tpu.memory_space<hbm>> -> memref<400x128xf32, #tpu.memory_space<hbm>>
        %dma_wait3A_82 = arith.constant 9600 : i32
        %dma_wait3A_83 = arith.constant 0 : i32
        %dma_wait3A_84 = tpu.memref_slice %arg15[%dma_wait3A_82, %dma_wait3A_83] : memref<10240x128xf32, #tpu.memory_space<vmem_shared>> -> memref<400x128xf32, #tpu.memory_space<vmem_shared>>
        tpu.wait_dma2 semaphore(%run_scoped3A : memref<!tpu.dma_semaphore, #tpu.memory_space<semaphore_mem>>) src(%dma_wait3A_84 : memref<400x128xf32, #tpu.memory_space<vmem_shared>>) dst(%dma_wait3A_81 : memref<400x128xf32, #tpu.memory_space<hbm>>)
        tpu.yield
      }) : () -> ()
    } else {
    }
    %eq3A_57 = arith.constant 0 : i32
    %eq3A_58 = arith.cmpi eq, %arg0, %eq3A_57 : i32
    %eq3A_59 = arith.constant 0 : i32
    %eq3A_60 = arith.cmpi eq, %arg1, %eq3A_59 : i32
    %and3A = arith.andi %eq3A_58, %eq3A_60 : i1
    %convert_element_type3A_61 = arith.extui %and3A : i1 to i32
    %cond3A_62 = arith.constant 0 : i32
    %cond3A_63 = arith.cmpi ne, %convert_element_type3A_61, %cond3A_62 : i32
    scf.if %cond3A_63 {
      "tpu.region"() ({
        %run_scoped3A = tpu.sem_alloc : memref<!tpu.dma_semaphore, #tpu.memory_space<semaphore_mem>>
        tpu.enqueue_dma source(%arg16 : memref<10240xf32, #tpu.memory_space<vmem_shared>>) target(%arg9 : memref<10240xf32, #tpu.memory_space<hbm>>) target_semaphore(%run_scoped3A : memref<!tpu.dma_semaphore, #tpu.memory_space<semaphore_mem>>)
        tpu.wait_dma2 semaphore(%run_scoped3A : memref<!tpu.dma_semaphore, #tpu.memory_space<semaphore_mem>>) src(%arg16 : memref<10240xf32, #tpu.memory_space<vmem_shared>>) dst(%arg9 : memref<10240xf32, #tpu.memory_space<hbm>>)
        tpu.yield
      }) : () -> ()
    } else {
    }
    %eq3A_64 = arith.constant 1 : i32
    %eq3A_65 = arith.cmpi eq, %arg0, %eq3A_64 : i32
    %eq3A_66 = arith.constant 0 : i32
    %eq3A_67 = arith.cmpi eq, %arg1, %eq3A_66 : i32
    %and3A_68 = arith.andi %eq3A_65, %eq3A_67 : i1
    %convert_element_type3A_69 = arith.extui %and3A_68 : i1 to i32
    %cond3A_70 = arith.constant 0 : i32
    %cond3A_71 = arith.cmpi ne, %convert_element_type3A_69, %cond3A_70 : i32
    scf.if %cond3A_71 {
      "tpu.region"() ({
        %run_scoped3A = tpu.sem_alloc : memref<!tpu.dma_semaphore, #tpu.memory_space<semaphore_mem>>
        tpu.enqueue_dma source(%arg16 : memref<10240xf32, #tpu.memory_space<vmem_shared>>) target(%arg10 : memref<10240xf32, #tpu.memory_space<hbm>>) target_semaphore(%run_scoped3A : memref<!tpu.dma_semaphore, #tpu.memory_space<semaphore_mem>>)
        tpu.wait_dma2 semaphore(%run_scoped3A : memref<!tpu.dma_semaphore, #tpu.memory_space<semaphore_mem>>) src(%arg16 : memref<10240xf32, #tpu.memory_space<vmem_shared>>) dst(%arg10 : memref<10240xf32, #tpu.memory_space<hbm>>)
        tpu.yield
      }) : () -> ()
    } else {
    }
    return
  }
}

module attributes {stable_mosaic.version = 14 : i64} {
  func.func @_tc_body(%arg0: i32, %arg1: memref<2x512x128xf32, #tpu.memory_space<vmem>>, %arg2: memref<512x1xf32, #tpu.memory_space<vmem>>, %arg3: memref<256x256xf32, #tpu.memory_space<vmem>>, %arg4: memref<256x256xf32, #tpu.memory_space<vmem>>, %arg5: memref<256x1xf32, #tpu.memory_space<vmem>>, %arg6: memref<1x256xf32, #tpu.memory_space<vmem>>, %arg7: memref<512x256xf32, #tpu.memory_space<vmem>>, %arg8: memref<1xf32, #tpu.memory_space<smem>>) attributes {dimension_semantics = [#tpu.dimension_semantics<arbitrary>], iteration_bounds = array<i64: 20>, scalar_prefetch = 0 : i64, scratch_operands = 1 : i64, tpu.core_type = #tpu.core_type<tc>, window_params = [{transform_indices = @transform_0, window_bounds = array<i64: 2, 512, 128>}, {transform_indices = @transform_1, window_bounds = array<i64: 512, 1>}, {pipeline_mode = #tpu.pipeline_mode<synchronous>, transform_indices = @transform_2, window_bounds = array<i64: 256, 256>}, {pipeline_mode = #tpu.pipeline_mode<synchronous>, transform_indices = @transform_3, window_bounds = array<i64: 256, 256>}, {pipeline_mode = #tpu.pipeline_mode<synchronous>, transform_indices = @transform_4, window_bounds = array<i64: 256, 1>}, {pipeline_mode = #tpu.pipeline_mode<synchronous>, transform_indices = @transform_5, window_bounds = array<i64: 1, 256>}, {transform_indices = @transform_6, window_bounds = array<i64: 512, 256>}]} {
    %eq3A = arith.constant 0 : i32
    %eq3A_0 = arith.cmpi eq, %arg0, %eq3A : i32
    %convert_element_type3A = arith.extui %eq3A_0 : i1 to i32
    %cond3A = arith.constant 0 : i32
    %cond3A_1 = arith.cmpi ne, %convert_element_type3A, %cond3A : i32
    scf.if %cond3A_1 {
      %get3A_40 = arith.constant 0 : index
      %get3A_41 = arith.constant 0 : index
      %get3A_42 = vector.load %arg4[%get3A_40, %get3A_41] : memref<256x256xf32, #tpu.memory_space<vmem>>, vector<256x256xf32>
      %get3A_43 = arith.constant 0 : index
      %get3A_44 = arith.constant 0 : index
      %get3A_45 = vector.load %arg5[%get3A_43, %get3A_44] : memref<256x1xf32, #tpu.memory_space<vmem>>, vector<256x1xf32>
      %dot_general3A_46 = arith.constant dense<0.000000e+00> : vector<256x1xf32>
      %dot_general3A_47 = tpu.matmul %get3A_42, %get3A_45, %dot_general3A_46 {dimension_numbers = #tpu.dot_dimension_numbers<[1], [0], [0], [1], [0, 0, 1, 1], [], []>, precision = #tpu.contract_precision<fp32>, transpose_lhs_hint = false} : vector<256x256xf32>, vector<256x1xf32>, vector<256x1xf32> -> vector<256x1xf32>
      %mul3A_48 = arith.mulf %dot_general3A_47, %dot_general3A_47 : vector<256x1xf32>
      %reduce_sum3A = vector.shape_cast %mul3A_48 : vector<256x1xf32> to vector<1x256x1xf32>
      %reduce_sum3A_49 = arith.constant dense<0.000000e+00> : vector<1xf32>
      %reduce_sum3A_50 = vector.multi_reduction <add>, %reduce_sum3A, %reduce_sum3A_49 [1, 2] : vector<1x256x1xf32> to vector<1xf32>
      %reduce_sum3A_51 = vector.shape_cast %reduce_sum3A_50 : vector<1xf32> to vector<1x1x1xf32>
      %reduce_sum3A_52 = vector.extract %reduce_sum3A_51[0, 0, 0] : f32 from vector<1x1x1xf32>
      %sqrt3A = math.sqrt %reduce_sum3A_52 : f32
      %add3A_53 = arith.constant 9.99999996E-13 : f32
      %add3A_54 = arith.addf %sqrt3A, %add3A_53 : f32
      %div3A = vector.broadcast %add3A_54 : f32 to vector<256x1xf32>
      %div3A_55 = arith.divf %dot_general3A_47, %div3A : vector<256x1xf32>
      %get3A_56 = arith.constant 0 : index
      %get3A_57 = arith.constant 0 : index
      %get3A_58 = vector.load %arg3[%get3A_56, %get3A_57] : memref<256x256xf32, #tpu.memory_space<vmem>>, vector<256x256xf32>
      %dot_general3A_59 = arith.constant dense<0.000000e+00> : vector<256x1xf32>
      %dot_general3A_60 = tpu.matmul %get3A_58, %div3A_55, %dot_general3A_59 {dimension_numbers = #tpu.dot_dimension_numbers<[1], [0], [0], [1], [0, 0, 1, 1], [], []>, precision = #tpu.contract_precision<fp32>, transpose_lhs_hint = false} : vector<256x256xf32>, vector<256x1xf32>, vector<256x1xf32> -> vector<256x1xf32>
      %mul3A_61 = arith.mulf %dot_general3A_60, %dot_general3A_60 : vector<256x1xf32>
      %reduce_sum3A_62 = vector.shape_cast %mul3A_61 : vector<256x1xf32> to vector<1x256x1xf32>
      %reduce_sum3A_63 = arith.constant dense<0.000000e+00> : vector<1xf32>
      %reduce_sum3A_64 = vector.multi_reduction <add>, %reduce_sum3A_62, %reduce_sum3A_63 [1, 2] : vector<1x256x1xf32> to vector<1xf32>
      %reduce_sum3A_65 = vector.shape_cast %reduce_sum3A_64 : vector<1xf32> to vector<1x1x1xf32>
      %reduce_sum3A_66 = vector.extract %reduce_sum3A_65[0, 0, 0] : f32 from vector<1x1x1xf32>
      %sqrt3A_67 = math.sqrt %reduce_sum3A_66 : f32
      %add3A_68 = arith.constant 9.99999996E-13 : f32
      %add3A_69 = arith.addf %sqrt3A_67, %add3A_68 : f32
      %div3A_70 = vector.broadcast %add3A_69 : f32 to vector<256x1xf32>
      %div3A_71 = arith.divf %dot_general3A_60, %div3A_70 : vector<256x1xf32>
      %mul3A_72 = arith.mulf %div3A_71, %dot_general3A_60 : vector<256x1xf32>
      %reduce_sum3A_73 = vector.shape_cast %mul3A_72 : vector<256x1xf32> to vector<1x256x1xf32>
      %reduce_sum3A_74 = arith.constant dense<0.000000e+00> : vector<1xf32>
      %reduce_sum3A_75 = vector.multi_reduction <add>, %reduce_sum3A_73, %reduce_sum3A_74 [1, 2] : vector<1x256x1xf32> to vector<1xf32>
      %reduce_sum3A_76 = vector.shape_cast %reduce_sum3A_75 : vector<1xf32> to vector<1x1x1xf32>
      %reduce_sum3A_77 = vector.extract %reduce_sum3A_76[0, 0, 0] : f32 from vector<1x1x1xf32>
      %div3A_78 = arith.constant 1.000000e+00 : f32
      %div3A_79 = arith.divf %div3A_78, %reduce_sum3A_77 : f32
      %swap3A_80 = arith.constant 0 : index
      %swap3A_81 = memref.load %arg8[%swap3A_80] : memref<1xf32, #tpu.memory_space<smem>>
      memref.store %div3A_79, %arg8[%swap3A_80] : memref<1xf32, #tpu.memory_space<smem>>
    } else {
    }
    %get3A = arith.constant 0 : index
    %get3A_2 = arith.constant 0 : index
    %get3A_3 = arith.constant 0 : index
    %get3A_4 = vector.load %arg1[%get3A, %get3A_2, %get3A_3] : memref<2x512x128xf32, #tpu.memory_space<vmem>>, vector<1x512x128xf32>
    %get3A_5 = vector.shape_cast %get3A_4 : vector<1x512x128xf32> to vector<512x128xf32>
    %get3A_6 = arith.constant 0 : index
    %get3A_7 = arith.constant 0 : index
    %get3A_8 = vector.load %arg2[%get3A_6, %get3A_7] : memref<512x1xf32, #tpu.memory_space<vmem>>, vector<512x1xf32>
    %mul3A = vector.broadcast %get3A_8 : vector<512x1xf32> to vector<512x128xf32>
    %mul3A_9 = arith.mulf %get3A_5, %mul3A : vector<512x128xf32>
    %get3A_10 = arith.constant 1 : index
    %get3A_11 = arith.constant 0 : index
    %get3A_12 = arith.constant 0 : index
    %get3A_13 = vector.load %arg1[%get3A_10, %get3A_11, %get3A_12] : memref<2x512x128xf32, #tpu.memory_space<vmem>>, vector<1x512x128xf32>
    %get3A_14 = vector.shape_cast %get3A_13 : vector<1x512x128xf32> to vector<512x128xf32>
    %get3A_15 = arith.constant 0 : index
    %get3A_16 = arith.constant 0 : index
    %get3A_17 = vector.load %arg2[%get3A_15, %get3A_16] : memref<512x1xf32, #tpu.memory_space<vmem>>, vector<512x1xf32>
    %mul3A_18 = vector.broadcast %get3A_17 : vector<512x1xf32> to vector<512x128xf32>
    %mul3A_19 = arith.mulf %get3A_14, %mul3A_18 : vector<512x128xf32>
    %get3A_20 = arith.constant 0 : index
    %get3A_21 = arith.constant 0 : index
    %get3A_22 = vector.load %arg4[%get3A_20, %get3A_21] : memref<256x256xf32, #tpu.memory_space<vmem>>, vector<128x256xf32>
    %dot_general3A = arith.constant dense<0.000000e+00> : vector<512x256xf32>
    %dot_general3A_23 = tpu.matmul %mul3A_9, %get3A_22, %dot_general3A {dimension_numbers = #tpu.dot_dimension_numbers<[1], [0], [0], [1], [0, 0, 1, 1], [], []>, transpose_lhs_hint = false} : vector<512x128xf32>, vector<128x256xf32>, vector<512x256xf32> -> vector<512x256xf32>
    %get3A_24 = arith.constant 128 : index
    %get3A_25 = arith.constant 0 : index
    %get3A_26 = vector.load %arg4[%get3A_24, %get3A_25] : memref<256x256xf32, #tpu.memory_space<vmem>>, vector<128x256xf32>
    %dot_general3A_27 = arith.constant dense<0.000000e+00> : vector<512x256xf32>
    %dot_general3A_28 = tpu.matmul %mul3A_19, %get3A_26, %dot_general3A_27 {dimension_numbers = #tpu.dot_dimension_numbers<[1], [0], [0], [1], [0, 0, 1, 1], [], []>, transpose_lhs_hint = false} : vector<512x128xf32>, vector<128x256xf32>, vector<512x256xf32> -> vector<512x256xf32>
    %add3A = arith.addf %dot_general3A_23, %dot_general3A_28 : vector<512x256xf32>
    %get3A_29 = arith.constant 0 : index
    %get3A_30 = memref.load %arg8[%get3A_29] : memref<1xf32, #tpu.memory_space<smem>>
    %mul3A_31 = vector.broadcast %get3A_30 : f32 to vector<512x256xf32>
    %mul3A_32 = arith.mulf %add3A, %mul3A_31 : vector<512x256xf32>
    %get3A_33 = arith.constant 0 : index
    %get3A_34 = arith.constant 0 : index
    %get3A_35 = vector.load %arg6[%get3A_33, %get3A_34] : memref<1x256xf32, #tpu.memory_space<vmem>>, vector<1x256xf32>
    %add3A_36 = vector.broadcast %get3A_35 : vector<1x256xf32> to vector<512x256xf32>
    %add3A_37 = arith.addf %mul3A_32, %add3A_36 : vector<512x256xf32>
    %swap3A = arith.constant 0 : index
    %swap3A_38 = arith.constant 0 : index
    %swap3A_39 = vector.load %arg7[%swap3A, %swap3A_38] : memref<512x256xf32, #tpu.memory_space<vmem>>, vector<512x256xf32>
    tpu.vector_store %arg7[%swap3A, %swap3A_38], %add3A_37 {strides = array<i32>} : memref<512x256xf32, #tpu.memory_space<vmem>>, vector<512x256xf32>,
    return
  }
  func.func @transform_0(%arg0: i32) -> (i32, i32, i32) {
    %c0_i32 = arith.constant 0 : i32
    %c0_i32_0 = arith.constant 0 : i32
    %c0_i32_1 = arith.constant 0 : i32
    return %c0_i32, %arg0, %c0_i32_0 : i32, i32, i32
  }
  func.func @transform_1(%arg0: i32) -> (i32, i32) {
    %c0_i32 = arith.constant 0 : i32
    %c0_i32_0 = arith.constant 0 : i32
    return %arg0, %c0_i32 : i32, i32
  }
  func.func @transform_2(%arg0: i32) -> (i32, i32) {
    %c0_i32 = arith.constant 0 : i32
    %c0_i32_0 = arith.constant 0 : i32
    %c0_i32_1 = arith.constant 0 : i32
    return %c0_i32, %c0_i32_0 : i32, i32
  }
  func.func @transform_3(%arg0: i32) -> (i32, i32) {
    %c0_i32 = arith.constant 0 : i32
    %c0_i32_0 = arith.constant 0 : i32
    %c0_i32_1 = arith.constant 0 : i32
    return %c0_i32, %c0_i32_0 : i32, i32
  }
  func.func @transform_4(%arg0: i32) -> (i32, i32) {
    %c0_i32 = arith.constant 0 : i32
    %c0_i32_0 = arith.constant 0 : i32
    %c0_i32_1 = arith.constant 0 : i32
    return %c0_i32, %c0_i32_0 : i32, i32
  }
  func.func @transform_5(%arg0: i32) -> (i32, i32) {
    %c0_i32 = arith.constant 0 : i32
    %c0_i32_0 = arith.constant 0 : i32
    %c0_i32_1 = arith.constant 0 : i32
    return %c0_i32, %c0_i32_0 : i32, i32
  }
  func.func @transform_6(%arg0: i32) -> (i32, i32) {
    %c0_i32 = arith.constant 0 : i32
    %c0_i32_0 = arith.constant 0 : i32
    return %arg0, %c0_i32 : i32, i32
  }
}

</mosaic_0001>

<sc_bundles>
// kernel: kernel.4.cloned.1.call-start
scs
__scs_entry_jumppad:
0x0: {  	(pc) =	sbr.rel $0x88, $3  }
0x1: {  	(tag) =	ssettag $0x0;
	lr =	simm.s32 $0x1  }
0x2: {  	[smem:$0x3F9C] =	sst lr;
	_ =	strace $0xD0000000  }
0x3: {  	_ = 	snop  }
0x4: {  	_ = 	snop  }
0x5: {  	_ = 	snop  }
0x6: {  	_ = 	snop  }
0x7: {  	_ = 	snop  }
__scs_overlays_trampoline_lowered:
0x8: {  	[smem:$0x3FAB] =	sst s0  }
0x9: {  	[smem:$0x3FAC] =	sst s1  }
0xa: {  	[smem:$0x3FAD] =	sst s2  }
0xb: {  	[smem:$0x3FAE] =	sst s3  }
0xc: {  	[smem:$0x3FAF] =	sst s4  }
0xd: {  	[smem:$0x3FB0] =	sst s5  }
0xe: {  	[smem:$0x3FB1] =	sst s6  }
0xf: {  	[smem:$0x3FB2] =	sst s7  }
0x10: {  	[smem:$0x3FB3] =	sst s8  }
0x11: {  	[smem:$0x3FB4] =	sst s9;
	s0 =	simm.s32 @!p0 $0x0  }
0x12: {  	s1 =	sld [smem:$0x3F9A];
	s0 =	simm.s32 @p0 $0x1  }
0x13: {  	[smem:$0x3FB5] =	sst s0;
	s0 =	simm.s32 @!p1 $0x0  }
0x14: {  	s2 =	sld [smem:$0x3F99];
	s0 =	simm.s32 @p1 $0x1  }
0x15: {  	[smem:$0x3FB6] =	sst s0;
	s0 =	simm.s32 @!p2 $0x0  }
0x16: {  	s3 =	sld [smem:$0x3FDB];
	s0 =	simm.s32 @p2 $0x1  }
0x17: {  	s4 =	simm.s32 $0x1BF5;
	[smem:$0x3FB8] =	sst s0  }
0x18: {  	s0 =	sld [smem:$0x3F9B];
	_ =	swait.ge [sflag:s4], $0x0  }
0x19: {  	s7 =	sld [smem:$0x3F9C]  }
0x1a: {  	s8 =	sadd.s32 $0xFFFFE003, lr  }
0x1b: {  	s9 =	sadd.s32 $0xFFFFFEF7, lr;
	s5 =	simm.s32 $0xFFFFFFFF;
	p2 =	slt.u32 s8, $0xFFFFF086  }
0x1c: {  	p1 =	slt.u32 s9, $0xF7A;
	s5 =	simm.s32 @!p2 $0x0  }
0x1d: {  	s5 =	simm.s32 @p1 $0x1;
	p0 =	seq.s32 s7, s2  }
0x1e: {  	s7 =	smul.u32 @!p0 $0xF7A, s2;
	p2 =	seq.s32 @!p0 s5, $0x0  }
0x1f: {  	s9 =	smul.u32 $0xF7A, s1;
	s8 =	simm.s32 @!p0 $0x1BF5;
	p2 =	por !p2, p0  }
0x20: {  	[sflag:s8] =	ssyncset.s32 @!p0 $0xFFFFF086;
	s6 =	sadd.s32 @!p0 s3, s7;
	s7 =	simm.s32 @!p0 $0x108  }
0x21: {  	s3 =	sadd.s32 s3, s9;
	s6 =	sadd.s32 @!p0 $0x88, s6;
	s7 =	simm.s32 @p2 $0x1082  }
0x22: {  	[simem:s7], [sflag:s8] =	dma.local @!p0 [hbm:s6], $0xF7A  }
0x23: {  	s9 =	sor.u32 $0xD0000000, s2;
	s6 =	simm.s32 $0x108;
	_ =	swait.ge @!p0 [sflag:s8], $0x0  }
0x24: {  	s3 =	sadd.s32 $0x88, s3;
	s6 =	simm.s32 @!p1 $0x1082;
	[sflag:s4] =	ssyncset.s32 $0xFFFFF086  }
0x25: {  	[simem:s6], [sflag:s4] =	dma.local [hbm:s3], $0xF7A  }
0x26: {  	[smem:$0x3F9C] =	sst s1;
	(tag) =	ssettag s2;
	_ =	strace s9  }
0x27: {  	s1 =	sld [smem:$0x3FAC]  }
0x28: {  	s2 =	sld [smem:$0x3FAD]  }
0x29: {  	s4 =	sld [smem:$0x3FAF]  }
0x2a: {  	p0 =	seq.s32 s5, $0x0;
	s5 =	sld [smem:$0x3FB0]  }
0x2b: {  	s6 =	sld [smem:$0x3FB1]  }
0x2c: {  	s7 =	sld [smem:$0x3FB2]  }
0x2d: {  	s3 =	simm.s32 $0x108;
	s8 =	sld [smem:$0x3FB3]  }
0x2e: {  	s3 =	simm.s32 @!p0 $0x1082;
	s9 =	sld [smem:$0x3FB4]  }
0x2f: {  	lr =	sadd.s32 s0, s3;
	s0 =	sld [smem:$0x3FAB]  }
0x30: {  	s3 =	sld [smem:$0x3FAE]  }
0x31: {  	[smem:$0x3FB7] =	sst s10  }
0x32: {  	s10 =	sld [smem:$0x3FB5];
	_ =	sdelay $0x3  }
0x33: {  	p0 =	seq.s32 s10, $0x1;
	s10 =	sld [smem:$0x3FB7];
	_ =	sdelay $0x3  }
0x34: {  	[smem:$0x3FB7] =	sst s10  }
0x35: {  	s10 =	sld [smem:$0x3FB6];
	_ =	sdelay $0x3  }
0x36: {  	p1 =	seq.s32 s10, $0x1;
	s10 =	sld [smem:$0x3FB7];
	_ =	sdelay $0x3  }
0x37: {  	[smem:$0x3FB7] =	sst s10  }
0x38: {  	s10 =	sld [smem:$0x3FB8]  }
0x39: {  	_ = 	snop;
	(pc) =	sbr.ind lr, $3  }
0x3a: {  	_ = 	snop  }
0x3b: {  	_ = 	snop  }
0x3c: {  	p2 =	seq.s32 s10, $0x1;
	s10 =	sld [smem:$0x3FB7]  }
0x3d: {  	_ =	shalt  }
0x3e: {  	_ =	shalt  }
0x3f: {  	_ =	shalt  }
0x40: {  	_ =	shalt  }
0x41: {  	_ =	shalt  }
0x42: {  	_ =	shalt  }
0x43: {  	_ =	shalt  }
0x44: {  	_ =	shalt  }
0x45: {  	_ =	shalt  }
0x46: {  	_ =	shalt  }
0x47: {  	_ =	shalt  }
0x48: {  	_ =	shalt  }
0x49: {  	_ =	shalt  }
0x4a: {  	_ =	shalt  }
0x4b: {  	_ =	shalt  }
0x4c: {  	_ =	shalt  }
0x4d: {  	_ =	shalt  }
0x4e: {  	_ =	shalt  }
0x4f: {  	_ =	shalt  }
0x50: {  	_ =	shalt  }
0x51: {  	_ =	shalt  }
0x52: {  	_ =	shalt  }
0x53: {  	_ =	shalt  }
0x54: {  	_ =	shalt  }
0x55: {  	_ =	shalt  }
0x56: {  	_ =	shalt  }
0x57: {  	_ =	shalt  }
0x58: {  	_ =	shalt  }
0x59: {  	_ =	shalt  }
0x5a: {  	_ =	shalt  }
0x5b: {  	_ =	shalt  }
0x5c: {  	_ =	shalt  }
0x5d: {  	_ =	shalt  }
0x5e: {  	_ =	shalt  }
0x5f: {  	_ =	shalt  }
0x60: {  	_ =	shalt  }
0x61: {  	_ =	shalt  }
0x62: {  	_ =	shalt  }
0x63: {  	_ =	shalt  }
0x64: {  	_ =	shalt  }
0x65: {  	_ =	shalt  }
0x66: {  	_ =	shalt  }
0x67: {  	_ =	shalt  }
0x68: {  	_ =	shalt  }
0x69: {  	_ =	shalt  }
0x6a: {  	_ =	shalt  }
0x6b: {  	_ =	shalt  }
0x6c: {  	_ =	shalt  }
0x6d: {  	_ =	shalt  }
0x6e: {  	_ =	shalt  }
0x6f: {  	_ =	shalt  }
0x70: {  	_ =	shalt  }
0x71: {  	_ =	shalt  }
0x72: {  	_ =	shalt  }
0x73: {  	_ =	shalt  }
0x74: {  	_ =	shalt  }
0x75: {  	_ =	shalt  }
0x76: {  	_ =	shalt  }
0x77: {  	_ =	shalt  }
0x78: {  	_ =	shalt  }
0x79: {  	_ =	shalt  }
0x7a: {  	_ =	shalt  }
0x7b: {  	_ =	shalt  }
0x7c: {  	_ =	shalt  }
0x7d: {  	_ =	shalt  }
0x7e: {  	_ =	shalt  }
0x7f: {  	_ =	shalt  }
0x80: {  	_ =	shalt  }
0x81: {  	_ =	shalt  }
0x82: {  	_ =	shalt  }
0x83: {  	_ =	shalt  }
0x84: {  	_ =	shalt  }
0x85: {  	_ =	shalt  }
0x86: {  	_ =	shalt  }
0x87: {  	_ =	shalt  }
.Lfunc_end0:
.L_simem_size_0:
called_computation_lowered:
.L_overlay_start_0:
0x88: {  	s2 =	sld [smem:$0x3FD9]  }
0x89: {  	s3 =	sld [smem:$0x3FFE];
	_ =	sdelay $0x1  }
0x8a: {  	s1 =	srdreg.scid  }
0x8b: {  	s0 =	sand.u32 $0x1, s1  }
0x8c: {  	s17 =	sshll.u32 s0, $0xA;
	s2 =	sadd.s32 s3, s2  }
0x8d: {  	s2 =	sadd.s32 s2, s17  }
0x8e: {  	[smem:$0x3FC3] =	sst s2  }
0x8f: {  	_ = 	snop  }
0x90: {  	s2 =	sld [smem:$0x3FC9]  }
0x91: {  	s18 =	sld [smem:$0x3FD0];
	(tm) =	ssettm $0x1  }
0x92: {  	s4 =	sld [smem:$0x3FFB];
	_ =	sdelay $0x3  }
0x93: {  	_ =	strace s4  }
0x94: {  	s4 =	sld [smem:$0x3FFC];
	_ =	sdelay $0x3  }
0x95: {  	_ =	strace s4  }
0x96: {  	s4 =	sld [smem:$0x3FFD];
	_ =	sdelay $0x3  }
0x97: {  	_ =	strace s4  }
0x98: {  	_ =	strace $0x8FFFFFFF  }
0x99: {  	s19 =	sld [smem:$0x3FDB];
	_ =	sdelay $0x1  }
0x9a: {  	s5 =	simm.s32 $_scs_section_size  }
0x9b: {  	s6 =	simm.s32 $_size__tile_overlayer_lowered;
	s7 =	simm.s32 $_tile_overlayer_lowered  }
0x9c: {  	s22 =	simm.s32 $0x1BFF;
	s21 =	sshll.u32 s7, $0x1;
	s4 =	sadd.s32 s5, s19  }
0x9d: {  	s8 =	simm.s32 $0x0;
	s20 =	sshll.u32 s6, $0x1;
	s6 =	sadd.s32 s21, s4  }
0x9e: {  	[timem:s8], [sflag:s22] =	dma.local [hbm:s6], s20  }
0x9f: {  	_ =	swait.ge [sflag:s22], s20  }
0xa0: {  	s5 =	ssub.s32 $0x0, s20;
	[sflag:s22] =	ssyncset.done $0x0  }
0xa1: {  	[sflag:s22] =	ssyncadd.s32 s5;
	_ =	sdelay $0x1  }
0xa2: {  	s23 =	simm.s32 $0x1B8B  }
0xa3: {  	_ =	swait.ge [sflag:s23], $0x1  }
0xa4: {  	[sflag:s23] =	ssyncset.done $0x0  }
0xa5: {  	s25 =	simm.s32 $0x1B8E;
	s24 =	sld [smem:$0x3FFE];
	[sflag:s23] =	ssyncadd.s32 $0xFFFFFFFF  }
0xa6: {  	s26 =	simm.s32 $execute0_lowered;
	[smem:$0x3FD2] =	sst s25  }
0xa7: {  	s6 =	sshll.u32 s26, $0x1;
	_ =	strace $0x80000046;
	[dreg:$0x1] =	wrdreg $0xFFFFFFFF  }
0xa8: {  	s28 =	simm.s32 $_size_execute0_lowered;
	s4 =	sadd.s32 s4, s6;
	[dreg:$0x0] =	wrdreg $0x0  }
0xa9: {  	s6 =	sshll.u32 s28, $0x1;
	[dreg:$0x2] =	wrdreg s4  }
0xaa: {  	[dreg:$0x3] =	wrdreg s6  }
0xab: {  	[dreg:$0x4] =	wrdreg $0xC0  }
0xac: {  	_ =	task [dreg:s8], $0x5FFFF  }
0xad: {  	[dreg:$0x1] =	wrdreg $0xFFFFFFFF  }
0xae: {  	[dreg:$0x0] =	wrdreg $0x60  }
0xaf: {  	[dreg:$0x2] =	wrdreg s2  }
0xb0: {  	[dreg:$0x3] =	wrdreg s24  }
0xb1: {  	[dreg:$0x4] =	wrdreg s18  }
0xb2: {  	[dreg:$0x5] =	wrdreg $0x90800  }
0xb3: {  	[dreg:$0x6] =	wrdreg $0x1D0800  }
0xb4: {  	[dreg:$0x7] =	wrdreg $0x9  }
0xb5: {  	_ =	task.clear_ibuf [dreg:s8], $0x8FFFF;
	_ =	strace $0x90000046  }
0xb6: {  	s29 =	simm.s32 $0x9;
	_ =	strace $0x80000048  }
0xb7: {  	_ =	swait.ge [sflag:s29], $0x1  }
0xb8: {  	[sflag:s29] =	ssyncadd.s32 $0xFFFFFFFF  }
0xb9: {  	_ =	strace $0x90000048  }
0xba: {  	_ =	sfence  }
0xbb: {  	s30 =	sld [smem:$0x0];
	_ =	sdelay $0x2  }
0xbc: {  	s31 =	sshll.u32 s1, $0xD;
	s1 =	sshrl.u32 s1, $0x2  }
0xbd: {  	s3 =	sand.u32 $0x4000, s31;
	s1 =	sadd.s32 s1, s30  }
0xbe: {  	s0 =	sor.u32 s3, s0;
	s1 =	sshll.u32 s1, $0x11  }
0xbf: {  	s0 =	sor.u32 s1, s0  }
0xc0: {  	s0 =	sadd.s32 $0x8F2B, s0  }
0xc1: {  	[sflag:s0] =	ssyncadd.remote.s32 $0x1  }
0xc2: {  	_ =	sfence.sel $0xFFFF  }
0xc3: {  	[dreg:$0x0] =	wrdreg $0xFFFFFFFF;
	(pc) =	sbr.abs _section_cstart, $3  }
0xc4: {  	[dreg:$0x1] =	wrdreg $0xFFFFFFFF  }
0xc5: {  	_ =	task.clear_ibuf [dreg:s8], $0x2FFFF;
	_ =	strace $0x9FFFFFFF  }
0xc6: {  	(tm) =	ssettm $0x7FFFFFFF  }
0xc7: {  	_ =	shalt  }
tec
execute0_lowered:
.L_overlay_start_1:
0x0: {  	(tag) =	ssettag $0x1  }
0x1: {  	s0 =	rddreg [dreg:$0x0]  }
0x2: {  	s4 =	rddreg [dreg:$0x1]  }
0x3: {  	s5 =	rddreg [dreg:$0x2]  }
0x4: {  	s1 =	rddreg [dreg:$0x3]  }
0x5: {  	s2 =	rddreg [dreg:$0x4]  }
0x6: {  	s3 =	simm.s32 $0x0;
	s18 =	srdreg.scid;
	s15 =	stileid.u32  }
0x7: {  	s10 =	simm.s32 $0x32;
	s31 =	simm.s32 $0x5;
	[smem:$0x7FF] =	sst s3  }
0x8: {  	s6 =	sadd.s32 $0x5A00, s4;
	s7 =	sadd.s32 $0xA00, s4;
	s8 =	sadd.s32 $0xAE00, s4  }
0x9: {  	s9 =	sadd.s32 $0xAC00, s4;
	s19 =	sadd.s32 $0xAA00, s4;
	s20 =	sadd.s32 $0xB600, s4  }
0xa: {  	s11 =	smul.u32 $0x500, s15;
	_ =	strace $0x80000047;
	[dreg:$0x6] =	wrdreg s8  }
0xb: {  	s4 =	sadd.s32 $0xBC00, s4;
	s12 =	smul.u32 $0x50000, s15;
	[dreg:$0x7] =	wrdreg s9  }
0xc: {  	p0 =	seq.s32 s15, $0xF;
	s23 =	smul.u32 $0xA00, s15;
	[dreg:$0x8] =	wrdreg s19  }
0xd: {  	s24 =	smul.u32 $0x14000, s15;
	p1 =	seq.s32 s15, $0x0;
	[dreg:$0x9] =	wrdreg s20  }
0xe: {  	s8 =	sand.u32 $0x1, s18;
	[dreg:$0xa] =	wrdreg s4;
	s10 =	simm.s32 @!p0 $0x50  }
0xf: {  	s21 =	ssub.s32 $0x2, s8;
	s17 =	sadd.s32 s6, s11;
	s13 =	sor.u32 $0x80, s11  }
0x10: {  	s14 =	smul.u32 $0x138800, s8;
	s18 =	sadd.s32 s7, s11;
	s25 =	sshrl.u32 s12, $0x2  }
0x11: {  	s9 =	sshrl.u32 s23, $0x2;
	s29 =	sshll.u32 s8, $0x7;
	p2 =	seq.s32 s8, $0x1  }
0x12: {  	s15 =	sor.u32 s15, s8;
	s28 =	sadd.s32 $0xFFFFFFFF, s10;
	s22 =	sshrl.u32 s21, $0x1  }
0x13: {  	s6 =	sadd.s32 s6, s13;
	s7 =	sadd.s32 s7, s13;
	s12 =	sadd.s32 s25, s1  }
0x14: {  	s26 =	sadd.s32 s9, s2;
	s16 =	sadd.s32 s0, s29;
	p1 =	por !p1, !p2  }
0x15: {  	p2 =	seq.s32 s8, $0x0;
	p3 =	sne.s32 s15, $0x0;
	[dreg:$0xb] =	wrdreg s17  }
0x16: {  	s29 =	sadd.s32 $0x80, s17;
	[dreg:$0xc] =	wrdreg s18;
	s8 =	simm.s32 $0x4B80  }
0x17: {  	s9 =	simm.s32 $0x4C00;
	s17 =	simm.s32 $0x4D80;
	[dreg:$0xd] =	wrdreg s6  }
0x18: {  	s4 =	ssub.s32 s21, s22;
	[dreg:$0xe] =	wrdreg s7;
	s6 =	sadd.s32 s24, s14  }
0x19: {  	s30 =	sshrl.u32 s14, $0x3;
	p1 =	por !p1, !p1;
	s19 =	sadd.s32 $0x4000, s12  }
0x1a: {  	s20 =	sadd.s32 $0x8000, s12;
	s21 =	sadd.s32 $0xC000, s12;
	s22 =	sadd.s32 $0x10000, s12  }
0x1b: {  	s26 =	sshrl.u32 s26, $0x3;
	[dreg:$0x19] =	wrdreg s29;
	s7 =	simm.s32 $0x4B00  }
0x1c: {  	[dreg:$0xf] =	wrdreg s12;
	s6 =	sshrl.u32 s6, $0x3;
	s14 =	sadd.s32 s5, s30  }
0x1d: {  	s4 =	smax.u32 s4, $0x1;
	s23 =	sshrl.u32 s20, $0x3;
	[dreg:$0x17] =	wrdreg s26  }
0x1e: {  	s24 =	sshrl.u32 s21, $0x3;
	s25 =	sshrl.u32 s22, $0x3;
	[dreg:$0x12] =	wrdreg s4  }
0x1f: {  	s26 =	sshrl.u32 s10, $0x1;
	s30 =	sadd.s32 $0x80, s18;
	[dreg:$0x14] =	wrdreg s23  }
0x20: {  	v0 =	vimm.s32 $0x7;
	s18 =	simm.s32 $0x4E00;
	s20 =	simm.s32 $0x4F00;
	[dreg:$0x15] =	wrdreg s24  }
0x21: {  	v1 =	vimm.s32 $0x1;
	v2 =	vimm.s32 $0x0;
	v3 =	vlaneseq.u32;
	s21 =	simm.s32 $0x4F80;
	s22 =	simm.s32 $0x80;
	[dreg:$0x16] =	wrdreg s25  }
.Ltmp0:
0x22: {  	vm0 =	vmmov $0x1;
	v4 =	vimm.s32 $0x2;
	v5 =	vimm.s32 $0x3;
	s13 =	sadd.s32 s5, s6;
	[dreg:$0x1a] =	wrdreg s30;
	(pc) =	sbr.rel .LBB2_1-.Ltmp0, $4  }
0x23: {  	v6 =	vimm.s32 $0x4;
	v7 =	vimm.s32 $0x5;
	v8 =	vimm.s32 $0x6;
	s0 =	sadd.s32 $0x25800, s14;
	s4 =	sshrl.u32 s19, $0x3;
	[dreg:$0x10] =	wrdreg s13  }
0x24: {  	v9 =	vimm.s32 $0x8;
	v10 =	vimm.s32 $0x9;
	v11 =	vimm.s32 $0xA;
	s14 =	simm.s32 $0x4D00;
	[dreg:$0x11] =	wrdreg s0;
	s0 =	sadd.s32 $0x12C000, s1  }
0x25: {  	v12 =	vimm.s32 $0xB;
	v13 =	vimm.s32 $0xC;
	v14 =	vimm.s32 $0xD;
	s19 =	simm.s32 $0x4E80;
	[dreg:$0x13] =	wrdreg s4;
	s0 =	sshrl.u32 @p0 s0, $0x3  }
0x26: {  	v15 =	vimm.s32 $0xE;
	v16 =	vimm.s32 $0xF;
	v3 =	vmul.u32 $0x8, v3;
	s23 =	simm.s32 $0x0;
	s13 =	simm.s32 $0x4C80;
	[dreg:$0x18] =	wrdreg s0  }
.LBB2_7:
0x27: {  	s0 =	simm.s32 $0x4  }
0x28: {  	_ =	swait.ge [sflag:s0], $0x4000  }
0x29: {  	[sflag:s0] =	ssyncset.done $0x0  }
0x2a: {  	[sflag:s0] =	ssyncadd.s32 $0xFFFFC000  }
0x2b: {  	[bflag:$0x0] =	sbarrier.arrive $0xFFFF  }
0x2c: {  	s0 =	rddreg [dreg:$0x11]  }
0x2d: {  	s4 =	rddreg [dreg:$0x18]  }
0x2e: {  	[hbm:s0], [sflag:s24] =	dma.local @p0 [spmem:s4], $0x1900  }
0x2f: {  	s0 =	simm.s32 @p0 $0x5  }
0x30: {  	_ =	swait.ge @p0 [sflag:s0], $0x1900  }
0x31: {  	[sflag:s0] =	ssyncset.done @p0 $0x0;
	s12 =	rddreg [dreg:$0xf]  }
0x32: {  	s4 =	rddreg [dreg:$0x10];
	[sflag:s0] =	ssyncadd.s32 @p0 $0xFFFFE700;
	s0 =	sshrl.u32 @!p0 s12, $0x3  }
0x33: {  	[hbm:s4], [sflag:s24] =	dma.local @!p0 [spmem:s0], $0x2800  }
0x34: {  	s0 =	simm.s32 @!p0 $0x5  }
0x35: {  	_ =	swait.ge @!p0 [sflag:s0], $0x2800  }
0x36: {  	[sflag:s0] =	ssyncset.done @!p0 $0x0  }
0x37: {  	s4 =	rddreg [dreg:$0x9];
	[sflag:s0] =	ssyncadd.s32 @!p0 $0xFFFFD800;
	s0 =	sshrl.u32 @!p3 s2, $0x3  }
0x38: {  	[hbm:s4], [sflag:s24] =	dma.local @!p3 [spmem:s0], $0x500  }
0x39: {  	s0 =	simm.s32 @!p3 $0x5  }
0x3a: {  	_ =	swait.ge @!p3 [sflag:s0], $0x500  }
0x3b: {  	[sflag:s0] =	ssyncset.done @!p3 $0x0  }
0x3c: {  	s4 =	rddreg [dreg:$0xa];
	[sflag:s0] =	ssyncadd.s32 @!p3 $0xFFFFFB00;
	s0 =	sshrl.u32 @p1 s2, $0x3  }
0x3d: {  	[hbm:s4], [sflag:s24] =	dma.local @p1 [spmem:s0], $0x500  }
0x3e: {  	s0 =	simm.s32 @p1 $0x5  }
0x3f: {  	_ =	swait.ge @p1 [sflag:s0], $0x500  }
0x40: {  	s23 =	sadd.s32 $0x1, s23;
	s30 =	rddreg [dreg:$0x12]  }
0x41: {  	p4 =	sne.s32 s23, s30  }
.Ltmp1:
0x42: {  	_ = 	snop;
	(pc) =	sbr.rel @!p4 .LBB2_8-.Ltmp1, $3  }
0x43: {  	_ =	sdelay $0x1  }
0x44: {  	[sflag:s0] =	ssyncset.done @p1 $0x0  }
0x45: {  	[sflag:s0] =	ssyncadd.s32 @p1 $0xFFFFFB00  }
.LBB2_1:
0x46: {  	s0 =	rddreg [dreg:$0xb]  }
0x47: {  	[tilespmem:s3], [sflag:$0x5] =	stream.linear.gather [hbm4b:s0+s3], $0x400, $0x38;
	[tilespmem:$0x1D300] =	vst v63  }
0x48: {  	_ =	swait.ge [sflag:s31], $0x400  }
0x49: {  	[sflag:s31] =	ssyncset.done $0x0  }
0x4a: {  	s4 =	simm.s32 $0x800;
	s6 =	rddreg [dreg:$0xc];
	[sflag:s31] =	ssyncadd.s32 $0xFFFFFC00  }
0x4b: {  	[tilespmem:s4], [sflag:$0x5] =	stream.linear.gather [hbm4b:s6+s3], $0x400, $0x38;
	[tilespmem:$0x1D300] =	vst v63  }
0x4c: {  	_ =	swait.ge [sflag:s31], $0x400  }
0x4d: {  	[sflag:s31] =	ssyncset.done $0x0  }
0x4e: {  	s25 =	simm.s32 $0x400;
	s11 =	rddreg [dreg:$0xd];
	[sflag:s31] =	ssyncadd.s32 $0xFFFFFC00  }
0x4f: {  	[tilespmem:s25], [sflag:$0x5] =	stream.linear.gather [hbm4b:s11+s3], $0x400, $0x38;
	[tilespmem:$0x1D300] =	vst v63  }
0x50: {  	_ =	swait.ge [sflag:s31], $0x400  }
0x51: {  	[sflag:s31] =	ssyncset.done $0x0  }
0x52: {  	s24 =	simm.s32 $0xC00;
	s15 =	rddreg [dreg:$0xe];
	[sflag:s31] =	ssyncadd.s32 $0xFFFFFC00  }
0x53: {  	[tilespmem:s24], [sflag:$0x5] =	stream.linear.gather [hbm4b:s15+s3], $0x400, $0x38;
	[tilespmem:$0x1D300] =	vst v63  }
0x54: {  	_ =	swait.ge [sflag:s31], $0x400  }
0x55: {  	[sflag:s31] =	ssyncset.done $0x0  }
0x56: {  	s5 =	simm.s32 $0x9000;
	s4 =	rddreg [dreg:$0x8];
	[sflag:s31] =	ssyncadd.s32 $0xFFFFFC00  }
0x57: {  	[tilespmem:s5], [sflag:$0x5] =	stream.linear.gather [hbm4b:s4+s3], $0x80, $0x38;
	[tilespmem:$0x1D300] =	vst v63  }
0x58: {  	s6 =	stileid.u32;
	_ =	swait.ge [sflag:s31], $0x80  }
0x59: {  	s0 =	sshll.u32 s6, $0x6;
	s11 =	sshrl.u32 s12, $0x3;
	[sflag:s31] =	ssyncset.done $0x0  }
0x5a: {  	s24 =	sor.u32 $0x1C05, s0;
	s12 =	rddreg [dreg:$0x6];
	[sflag:s31] =	ssyncadd.s32 $0xFFFFFF80  }
0x5b: {  	[spmem:s11], [sflag:s24] =	dma.local [hbm:s12], $0x800  }
0x5c: {  	_ =	swait.ge [sflag:s31], $0x800  }
0x5d: {  	[sflag:s31] =	ssyncset.done $0x0  }
0x5e: {  	s15 =	rddreg [dreg:$0x13];
	[sflag:s31] =	ssyncadd.s32 $0xFFFFF800  }
0x5f: {  	[spmem:s15], [sflag:s24] =	dma.local [hbm:s12], $0x800  }
0x60: {  	_ =	swait.ge [sflag:s31], $0x800  }
0x61: {  	[sflag:s31] =	ssyncset.done $0x0  }
0x62: {  	s5 =	rddreg [dreg:$0x14];
	[sflag:s31] =	ssyncadd.s32 $0xFFFFF800  }
0x63: {  	[spmem:s5], [sflag:s24] =	dma.local [hbm:s12], $0x800  }
0x64: {  	_ =	swait.ge [sflag:s31], $0x800  }
0x65: {  	[sflag:s31] =	ssyncset.done $0x0  }
0x66: {  	s6 =	rddreg [dreg:$0x15];
	[sflag:s31] =	ssyncadd.s32 $0xFFFFF800  }
0x67: {  	[spmem:s6], [sflag:s24] =	dma.local [hbm:s12], $0x800  }
0x68: {  	_ =	swait.ge [sflag:s31], $0x800  }
0x69: {  	[sflag:s31] =	ssyncset.done $0x0  }
0x6a: {  	s11 =	rddreg [dreg:$0x16];
	[sflag:s31] =	ssyncadd.s32 $0xFFFFF800  }
0x6b: {  	[spmem:s11], [sflag:s24] =	dma.local [hbm:s12], $0x800  }
0x6c: {  	_ =	swait.ge [sflag:s31], $0x800  }
0x6d: {  	[sflag:s31] =	ssyncset.done $0x0;
	s12 =	rddreg [dreg:$0x7]  }
0x6e: {  	s15 =	rddreg [dreg:$0x17];
	[sflag:s31] =	ssyncadd.s32 $0xFFFFF800  }
0x6f: {  	[spmem:s15], [sflag:s24] =	dma.local [hbm:s12], $0x50  }
0x70: {  	_ =	swait.ge [sflag:s31], $0x50  }
.Ltmp2:
0x71: {  	[sflag:s31] =	ssyncset.done $0x0;
	(pc) =	sbr.rel .LBB2_2-.Ltmp2, $4  }
0x72: {  	[sflag:s31] =	ssyncadd.s32 $0xFFFFFFB0  }
0x73: {  	[bflag:$0x0] =	sbarrier.arrive $0xFFFF  }
0x74: {  	s12 =	rddreg [dreg:$0x1a]  }
0x75: {  	s30 =	simm.s32 $0x0;
	s11 =	simm.s32 $0x200;
	s29 =	rddreg [dreg:$0x19]  }
.LBB2_6:
0x76: {  	s0 =	sand.u32 $0x7, s30  }
0x77: {  	p4 =	sne.s32 s0, $0x0  }
0x78: {  	p5 =	slt.u32 @!p4 s30, $0x8  }
0x79: {  	s0 =	sadd.s32 $0x8, s30;
	p6 =	por p5, p4  }
0x7a: {  	p6 =	sge.u32 @!p6 s0, s10  }
0x7b: {  	p5 =	por @!p4 p6, p5  }
0x7c: {  	p4 =	por p5, p4  }
0x7d: {  	s4 =	sand.u32 @!p4 $0x400, s25;
	s5 =	simm.s32 @!p4 $0x0;
	s6 =	simm.s32 @!p4 $0x6  }
0x7e: {  	[tilespmem:s4], [sflag:$0x6] =	stream.linear.gather @!p4 [hbm4b:s29+s5], $0x400, $0x38;
	[tilespmem:$0x1D300] =	vst v63  }
0x7f: {  	_ =	swait.ge @!p4 [sflag:s6], $0x400  }
0x80: {  	p5 =	sge.u32 s30, s26;
	[sflag:s6] =	ssyncset.done @!p4 $0x0  }
0x81: {  	p6 =	por !p5, !p5;
	s4 =	sor.u32 @!p4 $0x800, s4;
	[sflag:s6] =	ssyncadd.s32 @!p4 $0xFFFFFC00  }
0x82: {  	[tilespmem:s4], [sflag:$0x6] =	stream.linear.gather @!p4 [hbm4b:s12+s5], $0x400, $0x38;
	[tilespmem:$0x1D300] =	vst v63  }
0x83: {  	p6 =	por @!p2 p5, p5;
	_ =	swait.ge @!p4 [sflag:s6], $0x400  }
0x84: {  	s30 =	sadd.s32 $0xFFFFFFF9, s0;
	s4 =	simm.s32 @p6 $0x80;
	[sflag:s6] =	ssyncset.done @!p4 $0x0  }
0x85: {  	s5 =	simm.s32 @p6 $0x9000;
	[sflag:s6] =	ssyncadd.s32 @!p4 $0xFFFFFC00;
	p4 =	sne.s32 s30, s10  }
0x86: {  	[spmem:s2] =	stream.indirect.scatter.add.f32 @p6 [tilespmem:s5], [sflag:$0x5], $0x1, s15, s4, $0xb8;
	[tilespmem:$0x1D300] =	vst v63  }
.Ltmp3:
0x87: {  	_ = 	snop;
	(pc) =	sbr.rel @!p4 .LBB2_7-.Ltmp3, $4  }
0x88: {  	s4 =	simm.s32 @p6 $0x5  }
0x89: {  	_ =	swait.ge @p6 [sflag:s4], $0x80  }
0x8a: {  	s11 =	sadd.s32 $0x200, s11;
	s25 =	sadd.s32 $0x80, s25;
	[sflag:s4] =	ssyncset.done @p6 $0x0  }
0x8b: {  	s29 =	sadd.s32 $0x10, s29;
	s12 =	sadd.s32 $0x10, s12;
	[sflag:s4] =	ssyncadd.s32 @p6 $0xFFFFFF80  }
.LBB2_2:
0x8c: {  	p4 =	sne.s32 s30, $0x0  }
.Ltmp4:
0x8d: {  	_ = 	snop;
	(pc) =	sbr.rel @p4 .LBB2_4-.Ltmp4, $1  }
0x8e: {  	_ =	sdelay $0x3  }
0x8f: {  	v17 =	vld [tilespmem:$0x800];
	_ =	sdelay $0x4  }
0x90: {  	v18 =	vshll.u32 v17, $0x1  }
0x91: {  	v17 =	vand.u32 $0x7, v17;
	v18 =	vand.u32 $0xFFFFFFF0, v18  }
0x92: {  	v17 =	vor.u32 v17, v18  }
0x93: {  	v18 =	vperm.xlane v17, v2;
	_ =	sdelay $0x1  }
0x94: {  	v19 =	vperm.xlane v17, v1;
	v18 =	vadd.s32 v3, v18;
	_ =	sdelay $0x1  }
0x95: {  	v20 =	vperm.xlane v17, v4;
	v19 =	vadd.s32 v3, v19;
	_ =	sdelay $0x1  }
0x96: {  	s0 =	simm.s32 $0x1000;
	v21 =	vperm.xlane v17, v5;
	v20 =	vadd.s32 v3, v20  }
0x97: {  	[tilespmem:s0], [sflag:$0x1] =	stream.indirect_vreg.gather [hbm4b:s16+s3], $0x80, v18, vm0, $0xb8;
	[tilespmem:$0x1D300] =	vst v63  }
0x98: {  	s15 =	simm.s32 $0x1080;
	v50 =	vperm.xlane v17, v6;
	v18 =	vadd.s32 v3, v21  }
0x99: {  	[tilespmem:s15], [sflag:$0x1] =	stream.indirect_vreg.gather [hbm4b:s16+s3], $0x80, v19, vm0, $0xb8;
	[tilespmem:$0x1D300] =	vst v63  }
0x9a: {  	s4 =	simm.s32 $0x1100;
	v51 =	vperm.xlane v17, v7;
	v19 =	vadd.s32 v3, v50  }
0x9b: {  	[tilespmem:s4], [sflag:$0x1] =	stream.indirect_vreg.gather [hbm4b:s16+s3], $0x80, v20, vm0, $0xb8;
	[tilespmem:$0x1D300] =	vst v63  }
0x9c: {  	s5 =	simm.s32 $0x1180;
	v53 =	vperm.xlane v17, v8;
	v52 =	vadd.s32 v3, v51  }
0x9d: {  	[tilespmem:s5], [sflag:$0x1] =	stream.indirect_vreg.gather [hbm4b:s16+s3], $0x80, v18, vm0, $0xb8;
	[tilespmem:$0x1D300] =	vst v63  }
0x9e: {  	s6 =	simm.s32 $0x1200;
	v54 =	vperm.xlane v17, v0;
	v18 =	vadd.s32 v3, v53  }
0x9f: {  	[tilespmem:s6], [sflag:$0x1] =	stream.indirect_vreg.gather [hbm4b:s16+s3], $0x80, v19, vm0, $0xb8;
	[tilespmem:$0x1D300] =	vst v63  }
0xa0: {  	v55 =	vperm.xlane v17, v9;
	s15 =	simm.s32 $0x1280;
	v19 =	vadd.s32 v3, v54  }
0xa1: {  	[tilespmem:s15], [sflag:$0x1] =	stream.indirect_vreg.gather [hbm4b:s16+s3], $0x80, v52, vm0, $0xb8;
	[tilespmem:$0x1D300] =	vst v63  }
0xa2: {  	v57 =	vperm.xlane v17, v10;
	v56 =	vadd.s32 v3, v55;
	s4 =	simm.s32 $0x1300  }
0xa3: {  	[tilespmem:s4], [sflag:$0x1] =	stream.indirect_vreg.gather [hbm4b:s16+s3], $0x80, v18, vm0, $0xb8;
	[tilespmem:$0x1D300] =	vst v63  }
0xa4: {  	v58 =	vperm.xlane v17, v11;
	s5 =	simm.s32 $0x1380;
	v18 =	vadd.s32 v3, v57  }
0xa5: {  	[tilespmem:s5], [sflag:$0x1] =	stream.indirect_vreg.gather [hbm4b:s16+s3], $0x80, v19, vm0, $0xb8;
	[tilespmem:$0x1D300] =	vst v63  }
0xa6: {  	v59 =	vperm.xlane v17, v12;
	s6 =	simm.s32 $0x1400;
	v19 =	vadd.s32 v3, v58  }
0xa7: {  	[tilespmem:s6], [sflag:$0x1] =	stream.indirect_vreg.gather [hbm4b:s16+s3], $0x80, v56, vm0, $0xb8;
	[tilespmem:$0x1D300] =	vst v63  }
0xa8: {  	v61 =	vperm.xlane v17, v13;
	v60 =	vadd.s32 v3, v59;
	s15 =	simm.s32 $0x1480  }
0xa9: {  	[tilespmem:s15], [sflag:$0x1] =	stream.indirect_vreg.gather [hbm4b:s16+s3], $0x80, v18, vm0, $0xb8;
	[tilespmem:$0x1D300] =	vst v63  }
0xaa: {  	v62 =	vperm.xlane v17, v14;
	s4 =	simm.s32 $0x1500;
	v18 =	vadd.s32 v3, v61  }
0xab: {  	[tilespmem:s4], [sflag:$0x1] =	stream.indirect_vreg.gather [hbm4b:s16+s3], $0x80, v19, vm0, $0xb8;
	[tilespmem:$0x1D300] =	vst v63  }
0xac: {  	v63 =	vperm.xlane v17, v15;
	s5 =	simm.s32 $0x1580;
	v19 =	vadd.s32 v3, v62  }
0xad: {  	[tilespmem:s5], [sflag:$0x1] =	stream.indirect_vreg.gather [hbm4b:s16+s3], $0x80, v60, vm0, $0xb8;
	[tilespmem:$0x1D300] =	vst v63  }
0xae: {  	v17 =	vperm.xlane v17, v16;
	v24 =	vadd.s32 v3, v63;
	s6 =	simm.s32 $0x1600  }
0xaf: {  	[tilespmem:s6], [sflag:$0x1] =	stream.indirect_vreg.gather [hbm4b:s16+s3], $0x80, v18, vm0, $0xb8;
	[tilespmem:$0x1D300] =	vst v63  }
0xb0: {  	v17 =	vadd.s32 v3, v17;
	s15 =	simm.s32 $0x1680  }
0xb1: {  	[tilespmem:s15], [sflag:$0x1] =	stream.indirect_vreg.gather [hbm4b:s16+s3], $0x80, v19, vm0, $0xb8;
	[tilespmem:$0x1D300] =	vst v63  }
0xb2: {  	s4 =	simm.s32 $0x1700  }
0xb3: {  	[tilespmem:s4], [sflag:$0x1] =	stream.indirect_vreg.gather [hbm4b:s16+s3], $0x80, v24, vm0, $0xb8;
	[tilespmem:$0x1D300] =	vst v63  }
0xb4: {  	s5 =	simm.s32 $0x1780  }
0xb5: {  	[tilespmem:s5], [sflag:$0x1] =	stream.indirect_vreg.gather [hbm4b:s16+s3], $0x80, v17, vm0, $0xb8;
	[tilespmem:$0x1D300] =	vst v63  }
0xb6: {  	v17 =	vld [tilespmem:$0x810];
	_ =	sdelay $0x4  }
0xb7: {  	v18 =	vshll.u32 v17, $0x1  }
0xb8: {  	v17 =	vand.u32 $0x7, v17;
	v18 =	vand.u32 $0xFFFFFFF0, v18  }
0xb9: {  	v17 =	vor.u32 v17, v18  }
0xba: {  	v18 =	vperm.xlane v17, v2;
	_ =	sdelay $0x1  }
0xbb: {  	v19 =	vperm.xlane v17, v1;
	v18 =	vadd.s32 v3, v18;
	_ =	sdelay $0x1  }
0xbc: {  	v25 =	vperm.xlane v17, v4;
	v19 =	vadd.s32 v3, v19;
	_ =	sdelay $0x1  }
0xbd: {  	s6 =	simm.s32 $0x1800;
	v26 =	vperm.xlane v17, v5;
	v20 =	vadd.s32 v3, v25  }
0xbe: {  	[tilespmem:s6], [sflag:$0x1] =	stream.indirect_vreg.gather [hbm4b:s16+s3], $0x80, v18, vm0, $0xb8;
	[tilespmem:$0x1D300] =	vst v63  }
0xbf: {  	s15 =	simm.s32 $0x1880;
	v27 =	vperm.xlane v17, v6;
	v18 =	vadd.s32 v3, v26  }
0xc0: {  	[tilespmem:s15], [sflag:$0x1] =	stream.indirect_vreg.gather [hbm4b:s16+s3], $0x80, v19, vm0, $0xb8;
	[tilespmem:$0x1D300] =	vst v63  }
0xc1: {  	s4 =	simm.s32 $0x1900;
	v28 =	vperm.xlane v17, v7;
	v19 =	vadd.s32 v3, v27  }
0xc2: {  	[tilespmem:s4], [sflag:$0x1] =	stream.indirect_vreg.gather [hbm4b:s16+s3], $0x80, v20, vm0, $0xb8;
	[tilespmem:$0x1D300] =	vst v63  }
0xc3: {  	s5 =	simm.s32 $0x1980;
	v30 =	vperm.xlane v17, v8;
	v29 =	vadd.s32 v3, v28  }
0xc4: {  	[tilespmem:s5], [sflag:$0x1] =	stream.indirect_vreg.gather [hbm4b:s16+s3], $0x80, v18, vm0, $0xb8;
	[tilespmem:$0x1D300] =	vst v63  }
0xc5: {  	v31 =	vperm.xlane v17, v0;
	s6 =	simm.s32 $0x1A00;
	v18 =	vadd.s32 v3, v30  }
0xc6: {  	[tilespmem:s6], [sflag:$0x1] =	stream.indirect_vreg.gather [hbm4b:s16+s3], $0x80, v19, vm0, $0xb8;
	[tilespmem:$0x1D300] =	vst v63  }
0xc7: {  	v32 =	vperm.xlane v17, v9;
	s15 =	simm.s32 $0x1A80;
	v19 =	vadd.s32 v3, v31  }
0xc8: {  	[tilespmem:s15], [sflag:$0x1] =	stream.indirect_vreg.gather [hbm4b:s16+s3], $0x80, v29, vm0, $0xb8;
	[tilespmem:$0x1D300] =	vst v63  }
0xc9: {  	v34 =	vperm.xlane v17, v10;
	v33 =	vadd.s32 v3, v32;
	s4 =	simm.s32 $0x1B00  }
0xca: {  	[tilespmem:s4], [sflag:$0x1] =	stream.indirect_vreg.gather [hbm4b:s16+s3], $0x80, v18, vm0, $0xb8;
	[tilespmem:$0x1D300] =	vst v63  }
0xcb: {  	v35 =	vperm.xlane v17, v11;
	s5 =	simm.s32 $0x1B80;
	v18 =	vadd.s32 v3, v34  }
0xcc: {  	[tilespmem:s5], [sflag:$0x1] =	stream.indirect_vreg.gather [hbm4b:s16+s3], $0x80, v19, vm0, $0xb8;
	[tilespmem:$0x1D300] =	vst v63  }
0xcd: {  	v36 =	vperm.xlane v17, v12;
	s6 =	simm.s32 $0x1C00;
	v19 =	vadd.s32 v3, v35  }
0xce: {  	[tilespmem:s6], [sflag:$0x1] =	stream.indirect_vreg.gather [hbm4b:s16+s3], $0x80, v33, vm0, $0xb8;
	[tilespmem:$0x1D300] =	vst v63  }
0xcf: {  	v38 =	vperm.xlane v17, v13;
	v37 =	vadd.s32 v3, v36;
	s15 =	simm.s32 $0x1C80  }
0xd0: {  	[tilespmem:s15], [sflag:$0x1] =	stream.indirect_vreg.gather [hbm4b:s16+s3], $0x80, v18, vm0, $0xb8;
	[tilespmem:$0x1D300] =	vst v63  }
0xd1: {  	v39 =	vperm.xlane v17, v14;
	s4 =	simm.s32 $0x1D00;
	v18 =	vadd.s32 v3, v38  }
0xd2: {  	[tilespmem:s4], [sflag:$0x1] =	stream.indirect_vreg.gather [hbm4b:s16+s3], $0x80, v19, vm0, $0xb8;
	[tilespmem:$0x1D300] =	vst v63  }
0xd3: {  	v40 =	vperm.xlane v17, v15;
	s5 =	simm.s32 $0x1D80;
	v19 =	vadd.s32 v3, v39  }
0xd4: {  	[tilespmem:s5], [sflag:$0x1] =	stream.indirect_vreg.gather [hbm4b:s16+s3], $0x80, v37, vm0, $0xb8;
	[tilespmem:$0x1D300] =	vst v63  }
0xd5: {  	v17 =	vperm.xlane v17, v16;
	v41 =	vadd.s32 v3, v40;
	s6 =	simm.s32 $0x1E00  }
0xd6: {  	[tilespmem:s6], [sflag:$0x1] =	stream.indirect_vreg.gather [hbm4b:s16+s3], $0x80, v18, vm0, $0xb8;
	[tilespmem:$0x1D300] =	vst v63  }
0xd7: {  	v17 =	vadd.s32 v3, v17;
	s15 =	simm.s32 $0x1E80  }
0xd8: {  	[tilespmem:s15], [sflag:$0x1] =	stream.indirect_vreg.gather [hbm4b:s16+s3], $0x80, v19, vm0, $0xb8;
	[tilespmem:$0x1D300] =	vst v63  }
0xd9: {  	s4 =	simm.s32 $0x1F00  }
0xda: {  	[tilespmem:s4], [sflag:$0x1] =	stream.indirect_vreg.gather [hbm4b:s16+s3], $0x80, v41, vm0, $0xb8;
	[tilespmem:$0x1D300] =	vst v63  }
0xdb: {  	s5 =	simm.s32 $0x1F80  }
0xdc: {  	[tilespmem:s5], [sflag:$0x1] =	stream.indirect_vreg.gather [hbm4b:s16+s3], $0x80, v17, vm0, $0xb8;
	[tilespmem:$0x1D300] =	vst v63  }
0xdd: {  	v17 =	vld [tilespmem:$0x820];
	_ =	sdelay $0x4  }
0xde: {  	v18 =	vshll.u32 v17, $0x1  }
0xdf: {  	v17 =	vand.u32 $0x7, v17;
	v18 =	vand.u32 $0xFFFFFFF0, v18  }
0xe0: {  	v17 =	vor.u32 v17, v18  }
0xe1: {  	v18 =	vperm.xlane v17, v2;
	_ =	sdelay $0x1  }
0xe2: {  	v19 =	vperm.xlane v17, v1;
	v18 =	vadd.s32 v3, v18;
	_ =	sdelay $0x1  }
0xe3: {  	v42 =	vperm.xlane v17, v4;
	v19 =	vadd.s32 v3, v19;
	_ =	sdelay $0x1  }
0xe4: {  	s6 =	simm.s32 $0x2000;
	v43 =	vperm.xlane v17, v5;
	v20 =	vadd.s32 v3, v42  }
0xe5: {  	[tilespmem:s6], [sflag:$0x1] =	stream.indirect_vreg.gather [hbm4b:s16+s3], $0x80, v18, vm0, $0xb8;
	[tilespmem:$0x1D300] =	vst v63  }
0xe6: {  	s15 =	simm.s32 $0x2080;
	v44 =	vperm.xlane v17, v6;
	v18 =	vadd.s32 v3, v43  }
0xe7: {  	[tilespmem:s15], [sflag:$0x1] =	stream.indirect_vreg.gather [hbm4b:s16+s3], $0x80, v19, vm0, $0xb8;
	[tilespmem:$0x1D300] =	vst v63  }
0xe8: {  	s4 =	simm.s32 $0x2100;
	v45 =	vperm.xlane v17, v7;
	v19 =	vadd.s32 v3, v44  }
0xe9: {  	[tilespmem:s4], [sflag:$0x1] =	stream.indirect_vreg.gather [hbm4b:s16+s3], $0x80, v20, vm0, $0xb8;
	[tilespmem:$0x1D300] =	vst v63  }
0xea: {  	s5 =	simm.s32 $0x2180;
	v47 =	vperm.xlane v17, v8;
	v46 =	vadd.s32 v3, v45  }
0xeb: {  	[tilespmem:s5], [sflag:$0x1] =	stream.indirect_vreg.gather [hbm4b:s16+s3], $0x80, v18, vm0, $0xb8;
	[tilespmem:$0x1D300] =	vst v63  }
0xec: {  	v48 =	vperm.xlane v17, v0;
	s6 =	simm.s32 $0x2200;
	v18 =	vadd.s32 v3, v47  }
0xed: {  	[tilespmem:s6], [sflag:$0x1] =	stream.indirect_vreg.gather [hbm4b:s16+s3], $0x80, v19, vm0, $0xb8;
	[tilespmem:$0x1D300] =	vst v63  }
0xee: {  	v49 =	vperm.xlane v17, v9;
	s15 =	simm.s32 $0x2280;
	v19 =	vadd.s32 v3, v48  }
0xef: {  	[tilespmem:s15], [sflag:$0x1] =	stream.indirect_vreg.gather [hbm4b:s16+s3], $0x80, v46, vm0, $0xb8;
	[tilespmem:$0x1D300] =	vst v63  }
0xf0: {  	v51 =	vperm.xlane v17, v10;
	v50 =	vadd.s32 v3, v49;
	s4 =	simm.s32 $0x2300  }
0xf1: {  	[tilespmem:s4], [sflag:$0x1] =	stream.indirect_vreg.gather [hbm4b:s16+s3], $0x80, v18, vm0, $0xb8;
	[tilespmem:$0x1D300] =	vst v63  }
0xf2: {  	v52 =	vperm.xlane v17, v11;
	s5 =	simm.s32 $0x2380;
	v18 =	vadd.s32 v3, v51  }
0xf3: {  	[tilespmem:s5], [sflag:$0x1] =	stream.indirect_vreg.gather [hbm4b:s16+s3], $0x80, v19, vm0, $0xb8;
	[tilespmem:$0x1D300] =	vst v63  }
0xf4: {  	v53 =	vperm.xlane v17, v12;
	s6 =	simm.s32 $0x2400;
	v19 =	vadd.s32 v3, v52  }
0xf5: {  	[tilespmem:s6], [sflag:$0x1] =	stream.indirect_vreg.gather [hbm4b:s16+s3], $0x80, v50, vm0, $0xb8;
	[tilespmem:$0x1D300] =	vst v63  }
0xf6: {  	v55 =	vperm.xlane v17, v13;
	v54 =	vadd.s32 v3, v53;
	s15 =	simm.s32 $0x2480  }
0xf7: {  	[tilespmem:s15], [sflag:$0x1] =	stream.indirect_vreg.gather [hbm4b:s16+s3], $0x80, v18, vm0, $0xb8;
	[tilespmem:$0x1D300] =	vst v63  }
0xf8: {  	v56 =	vperm.xlane v17, v14;
	s4 =	simm.s32 $0x2500;
	v18 =	vadd.s32 v3, v55  }
0xf9: {  	[tilespmem:s4], [sflag:$0x1] =	stream.indirect_vreg.gather [hbm4b:s16+s3], $0x80, v19, vm0, $0xb8;
	[tilespmem:$0x1D300] =	vst v63  }
0xfa: {  	v57 =	vperm.xlane v17, v15;
	s5 =	simm.s32 $0x2580;
	v19 =	vadd.s32 v3, v56  }
0xfb: {  	[tilespmem:s5], [sflag:$0x1] =	stream.indirect_vreg.gather [hbm4b:s16+s3], $0x80, v54, vm0, $0xb8;
	[tilespmem:$0x1D300] =	vst v63  }
0xfc: {  	v17 =	vperm.xlane v17, v16;
	v58 =	vadd.s32 v3, v57;
	s6 =	simm.s32 $0x2600  }
0xfd: {  	[tilespmem:s6], [sflag:$0x1] =	stream.indirect_vreg.gather [hbm4b:s16+s3], $0x80, v18, vm0, $0xb8;
	[tilespmem:$0x1D300] =	vst v63  }
0xfe: {  	v17 =	vadd.s32 v3, v17;
	s15 =	simm.s32 $0x2680  }
0xff: {  	[tilespmem:s15], [sflag:$0x1] =	stream.indirect_vreg.gather [hbm4b:s16+s3], $0x80, v19, vm0, $0xb8;
	[tilespmem:$0x1D300] =	vst v63  }
0x100: {  	s4 =	simm.s32 $0x2700  }
0x101: {  	[tilespmem:s4], [sflag:$0x1] =	stream.indirect_vreg.gather [hbm4b:s16+s3], $0x80, v58, vm0, $0xb8;
	[tilespmem:$0x1D300] =	vst v63  }
0x102: {  	s5 =	simm.s32 $0x2780  }
0x103: {  	[tilespmem:s5], [sflag:$0x1] =	stream.indirect_vreg.gather [hbm4b:s16+s3], $0x80, v17, vm0, $0xb8;
	[tilespmem:$0x1D300] =	vst v63  }
0x104: {  	v17 =	vld [tilespmem:$0x830];
	_ =	sdelay $0x4  }
0x105: {  	v18 =	vshll.u32 v17, $0x1  }
0x106: {  	v17 =	vand.u32 $0x7, v17;
	v18 =	vand.u32 $0xFFFFFFF0, v18  }
0x107: {  	v17 =	vor.u32 v17, v18  }
0x108: {  	v18 =	vperm.xlane v17, v2;
	_ =	sdelay $0x1  }
0x109: {  	v19 =	vperm.xlane v17, v1;
	v18 =	vadd.s32 v3, v18;
	_ =	sdelay $0x1  }
0x10a: {  	v59 =	vperm.xlane v17, v4;
	v19 =	vadd.s32 v3, v19;
	_ =	sdelay $0x1  }
0x10b: {  	s6 =	simm.s32 $0x2800;
	v60 =	vperm.xlane v17, v5;
	v20 =	vadd.s32 v3, v59  }
0x10c: {  	[tilespmem:s6], [sflag:$0x1] =	stream.indirect_vreg.gather [hbm4b:s16+s3], $0x80, v18, vm0, $0xb8;
	[tilespmem:$0x1D300] =	vst v63  }
0x10d: {  	s15 =	simm.s32 $0x2880;
	v61 =	vperm.xlane v17, v6;
	v18 =	vadd.s32 v3, v60  }
0x10e: {  	[tilespmem:s15], [sflag:$0x1] =	stream.indirect_vreg.gather [hbm4b:s16+s3], $0x80, v19, vm0, $0xb8;
	[tilespmem:$0x1D300] =	vst v63  }
0x10f: {  	s4 =	simm.s32 $0x2900;
	v62 =	vperm.xlane v17, v7;
	v19 =	vadd.s32 v3, v61  }
0x110: {  	[tilespmem:s4], [sflag:$0x1] =	stream.indirect_vreg.gather [hbm4b:s16+s3], $0x80, v20, vm0, $0xb8;
	[tilespmem:$0x1D300] =	vst v63  }
0x111: {  	s5 =	simm.s32 $0x2980;
	v24 =	vperm.xlane v17, v8;
	v63 =	vadd.s32 v3, v62  }
0x112: {  	[tilespmem:s5], [sflag:$0x1] =	stream.indirect_vreg.gather [hbm4b:s16+s3], $0x80, v18, vm0, $0xb8;
	[tilespmem:$0x1D300] =	vst v63  }
0x113: {  	v25 =	vperm.xlane v17, v0;
	s6 =	simm.s32 $0x2A00;
	v18 =	vadd.s32 v3, v24  }
0x114: {  	[tilespmem:s6], [sflag:$0x1] =	stream.indirect_vreg.gather [hbm4b:s16+s3], $0x80, v19, vm0, $0xb8;
	[tilespmem:$0x1D300] =	vst v63  }
0x115: {  	v26 =	vperm.xlane v17, v9;
	s15 =	simm.s32 $0x2A80;
	v19 =	vadd.s32 v3, v25  }
0x116: {  	[tilespmem:s15], [sflag:$0x1] =	stream.indirect_vreg.gather [hbm4b:s16+s3], $0x80, v63, vm0, $0xb8;
	[tilespmem:$0x1D300] =	vst v63  }
0x117: {  	v28 =	vperm.xlane v17, v10;
	v27 =	vadd.s32 v3, v26;
	s4 =	simm.s32 $0x2B00  }
0x118: {  	[tilespmem:s4], [sflag:$0x1] =	stream.indirect_vreg.gather [hbm4b:s16+s3], $0x80, v18, vm0, $0xb8;
	[tilespmem:$0x1D300] =	vst v63  }
0x119: {  	v29 =	vperm.xlane v17, v11;
	s5 =	simm.s32 $0x2B80;
	v18 =	vadd.s32 v3, v28  }
0x11a: {  	[tilespmem:s5], [sflag:$0x1] =	stream.indirect_vreg.gather [hbm4b:s16+s3], $0x80, v19, vm0, $0xb8;
	[tilespmem:$0x1D300] =	vst v63  }
0x11b: {  	v30 =	vperm.xlane v17, v12;
	s6 =	simm.s32 $0x2C00;
	v19 =	vadd.s32 v3, v29  }
0x11c: {  	[tilespmem:s6], [sflag:$0x1] =	stream.indirect_vreg.gather [hbm4b:s16+s3], $0x80, v27, vm0, $0xb8;
	[tilespmem:$0x1D300] =	vst v63  }
0x11d: {  	v32 =	vperm.xlane v17, v13;
	v31 =	vadd.s32 v3, v30;
	s15 =	simm.s32 $0x2C80  }
0x11e: {  	[tilespmem:s15], [sflag:$0x1] =	stream.indirect_vreg.gather [hbm4b:s16+s3], $0x80, v18, vm0, $0xb8;
	[tilespmem:$0x1D300] =	vst v63  }
0x11f: {  	v33 =	vperm.xlane v17, v14;
	s4 =	simm.s32 $0x2D00;
	v18 =	vadd.s32 v3, v32  }
0x120: {  	[tilespmem:s4], [sflag:$0x1] =	stream.indirect_vreg.gather [hbm4b:s16+s3], $0x80, v19, vm0, $0xb8;
	[tilespmem:$0x1D300] =	vst v63  }
0x121: {  	v34 =	vperm.xlane v17, v15;
	s5 =	simm.s32 $0x2D80;
	v19 =	vadd.s32 v3, v33  }
0x122: {  	[tilespmem:s5], [sflag:$0x1] =	stream.indirect_vreg.gather [hbm4b:s16+s3], $0x80, v31, vm0, $0xb8;
	[tilespmem:$0x1D300] =	vst v63  }
0x123: {  	v17 =	vperm.xlane v17, v16;
	v35 =	vadd.s32 v3, v34;
	s6 =	simm.s32 $0x2E00  }
0x124: {  	[tilespmem:s6], [sflag:$0x1] =	stream.indirect_vreg.gather [hbm4b:s16+s3], $0x80, v18, vm0, $0xb8;
	[tilespmem:$0x1D300] =	vst v63  }
0x125: {  	v17 =	vadd.s32 v3, v17;
	s15 =	simm.s32 $0x2E80  }
0x126: {  	[tilespmem:s15], [sflag:$0x1] =	stream.indirect_vreg.gather [hbm4b:s16+s3], $0x80, v19, vm0, $0xb8;
	[tilespmem:$0x1D300] =	vst v63  }
0x127: {  	s4 =	simm.s32 $0x2F00  }
0x128: {  	[tilespmem:s4], [sflag:$0x1] =	stream.indirect_vreg.gather [hbm4b:s16+s3], $0x80, v35, vm0, $0xb8;
	[tilespmem:$0x1D300] =	vst v63  }
0x129: {  	s5 =	simm.s32 $0x2F80  }
0x12a: {  	[tilespmem:s5], [sflag:$0x1] =	stream.indirect_vreg.gather [hbm4b:s16+s3], $0x80, v17, vm0, $0xb8;
	[tilespmem:$0x1D300] =	vst v63  }
0x12b: {  	v17 =	vld [tilespmem:$0x840];
	_ =	sdelay $0x4  }
0x12c: {  	v18 =	vshll.u32 v17, $0x1  }
0x12d: {  	v17 =	vand.u32 $0x7, v17;
	v18 =	vand.u32 $0xFFFFFFF0, v18  }
0x12e: {  	v17 =	vor.u32 v17, v18  }
0x12f: {  	v18 =	vperm.xlane v17, v2;
	_ =	sdelay $0x1  }
0x130: {  	v19 =	vperm.xlane v17, v1;
	v18 =	vadd.s32 v3, v18;
	_ =	sdelay $0x1  }
0x131: {  	v36 =	vperm.xlane v17, v4;
	v19 =	vadd.s32 v3, v19;
	_ =	sdelay $0x1  }
0x132: {  	s6 =	simm.s32 $0x3000;
	v37 =	vperm.xlane v17, v5;
	v20 =	vadd.s32 v3, v36  }
0x133: {  	[tilespmem:s6], [sflag:$0x1] =	stream.indirect_vreg.gather [hbm4b:s16+s3], $0x80, v18, vm0, $0xb8;
	[tilespmem:$0x1D300] =	vst v63  }
0x134: {  	s15 =	simm.s32 $0x3080;
	v38 =	vperm.xlane v17, v6;
	v18 =	vadd.s32 v3, v37  }
0x135: {  	[tilespmem:s15], [sflag:$0x1] =	stream.indirect_vreg.gather [hbm4b:s16+s3], $0x80, v19, vm0, $0xb8;
	[tilespmem:$0x1D300] =	vst v63  }
0x136: {  	s4 =	simm.s32 $0x3100;
	v39 =	vperm.xlane v17, v7;
	v19 =	vadd.s32 v3, v38  }
0x137: {  	[tilespmem:s4], [sflag:$0x1] =	stream.indirect_vreg.gather [hbm4b:s16+s3], $0x80, v20, vm0, $0xb8;
	[tilespmem:$0x1D300] =	vst v63  }
0x138: {  	s5 =	simm.s32 $0x3180;
	v41 =	vperm.xlane v17, v8;
	v40 =	vadd.s32 v3, v39  }
0x139: {  	[tilespmem:s5], [sflag:$0x1] =	stream.indirect_vreg.gather [hbm4b:s16+s3], $0x80, v18, vm0, $0xb8;
	[tilespmem:$0x1D300] =	vst v63  }
0x13a: {  	v42 =	vperm.xlane v17, v0;
	s6 =	simm.s32 $0x3200;
	v18 =	vadd.s32 v3, v41  }
0x13b: {  	[tilespmem:s6], [sflag:$0x1] =	stream.indirect_vreg.gather [hbm4b:s16+s3], $0x80, v19, vm0, $0xb8;
	[tilespmem:$0x1D300] =	vst v63  }
0x13c: {  	v43 =	vperm.xlane v17, v9;
	s15 =	simm.s32 $0x3280;
	v19 =	vadd.s32 v3, v42  }
0x13d: {  	[tilespmem:s15], [sflag:$0x1] =	stream.indirect_vreg.gather [hbm4b:s16+s3], $0x80, v40, vm0, $0xb8;
	[tilespmem:$0x1D300] =	vst v63  }
0x13e: {  	v45 =	vperm.xlane v17, v10;
	v44 =	vadd.s32 v3, v43;
	s4 =	simm.s32 $0x3300  }
0x13f: {  	[tilespmem:s4], [sflag:$0x1] =	stream.indirect_vreg.gather [hbm4b:s16+s3], $0x80, v18, vm0, $0xb8;
	[tilespmem:$0x1D300] =	vst v63  }
0x140: {  	v46 =	vperm.xlane v17, v11;
	s5 =	simm.s32 $0x3380;
	v18 =	vadd.s32 v3, v45  }
0x141: {  	[tilespmem:s5], [sflag:$0x1] =	stream.indirect_vreg.gather [hbm4b:s16+s3], $0x80, v19, vm0, $0xb8;
	[tilespmem:$0x1D300] =	vst v63  }
0x142: {  	v47 =	vperm.xlane v17, v12;
	s6 =	simm.s32 $0x3400;
	v19 =	vadd.s32 v3, v46  }
0x143: {  	[tilespmem:s6], [sflag:$0x1] =	stream.indirect_vreg.gather [hbm4b:s16+s3], $0x80, v44, vm0, $0xb8;
	[tilespmem:$0x1D300] =	vst v63  }
0x144: {  	v49 =	vperm.xlane v17, v13;
	v48 =	vadd.s32 v3, v47;
	s15 =	simm.s32 $0x3480  }
0x145: {  	[tilespmem:s15], [sflag:$0x1] =	stream.indirect_vreg.gather [hbm4b:s16+s3], $0x80, v18, vm0, $0xb8;
	[tilespmem:$0x1D300] =	vst v63  }
0x146: {  	v50 =	vperm.xlane v17, v14;
	s4 =	simm.s32 $0x3500;
	v18 =	vadd.s32 v3, v49  }
0x147: {  	[tilespmem:s4], [sflag:$0x1] =	stream.indirect_vreg.gather [hbm4b:s16+s3], $0x80, v19, vm0, $0xb8;
	[tilespmem:$0x1D300] =	vst v63  }
0x148: {  	v51 =	vperm.xlane v17, v15;
	s5 =	simm.s32 $0x3580;
	v19 =	vadd.s32 v3, v50  }
0x149: {  	[tilespmem:s5], [sflag:$0x1] =	stream.indirect_vreg.gather [hbm4b:s16+s3], $0x80, v48, vm0, $0xb8;
	[tilespmem:$0x1D300] =	vst v63  }
0x14a: {  	v17 =	vperm.xlane v17, v16;
	v52 =	vadd.s32 v3, v51;
	s6 =	simm.s32 $0x3600  }
0x14b: {  	[tilespmem:s6], [sflag:$0x1] =	stream.indirect_vreg.gather [hbm4b:s16+s3], $0x80, v18, vm0, $0xb8;
	[tilespmem:$0x1D300] =	vst v63  }
0x14c: {  	v17 =	vadd.s32 v3, v17;
	s15 =	simm.s32 $0x3680  }
0x14d: {  	[tilespmem:s15], [sflag:$0x1] =	stream.indirect_vreg.gather [hbm4b:s16+s3], $0x80, v19, vm0, $0xb8;
	[tilespmem:$0x1D300] =	vst v63  }
0x14e: {  	s4 =	simm.s32 $0x3700  }
0x14f: {  	[tilespmem:s4], [sflag:$0x1] =	stream.indirect_vreg.gather [hbm4b:s16+s3], $0x80, v52, vm0, $0xb8;
	[tilespmem:$0x1D300] =	vst v63  }
0x150: {  	s5 =	simm.s32 $0x3780  }
0x151: {  	[tilespmem:s5], [sflag:$0x1] =	stream.indirect_vreg.gather [hbm4b:s16+s3], $0x80, v17, vm0, $0xb8;
	[tilespmem:$0x1D300] =	vst v63  }
0x152: {  	v17 =	vld [tilespmem:$0x850];
	_ =	sdelay $0x4  }
0x153: {  	v18 =	vshll.u32 v17, $0x1  }
0x154: {  	v17 =	vand.u32 $0x7, v17;
	v18 =	vand.u32 $0xFFFFFFF0, v18  }
0x155: {  	v17 =	vor.u32 v17, v18  }
0x156: {  	v18 =	vperm.xlane v17, v2;
	_ =	sdelay $0x1  }
0x157: {  	v19 =	vperm.xlane v17, v1;
	v18 =	vadd.s32 v3, v18;
	_ =	sdelay $0x1  }
0x158: {  	v53 =	vperm.xlane v17, v4;
	v19 =	vadd.s32 v3, v19;
	_ =	sdelay $0x1  }
0x159: {  	s6 =	simm.s32 $0x3800;
	v54 =	vperm.xlane v17, v5;
	v20 =	vadd.s32 v3, v53  }
0x15a: {  	[tilespmem:s6], [sflag:$0x1] =	stream.indirect_vreg.gather [hbm4b:s16+s3], $0x80, v18, vm0, $0xb8;
	[tilespmem:$0x1D300] =	vst v63  }
0x15b: {  	s15 =	simm.s32 $0x3880;
	v55 =	vperm.xlane v17, v6;
	v18 =	vadd.s32 v3, v54  }
0x15c: {  	[tilespmem:s15], [sflag:$0x1] =	stream.indirect_vreg.gather [hbm4b:s16+s3], $0x80, v19, vm0, $0xb8;
	[tilespmem:$0x1D300] =	vst v63  }
0x15d: {  	s4 =	simm.s32 $0x3900;
	v56 =	vperm.xlane v17, v7;
	v19 =	vadd.s32 v3, v55  }
0x15e: {  	[tilespmem:s4], [sflag:$0x1] =	stream.indirect_vreg.gather [hbm4b:s16+s3], $0x80, v20, vm0, $0xb8;
	[tilespmem:$0x1D300] =	vst v63  }
0x15f: {  	s5 =	simm.s32 $0x3980;
	v58 =	vperm.xlane v17, v8;
	v57 =	vadd.s32 v3, v56  }
0x160: {  	[tilespmem:s5], [sflag:$0x1] =	stream.indirect_vreg.gather [hbm4b:s16+s3], $0x80, v18, vm0, $0xb8;
	[tilespmem:$0x1D300] =	vst v63  }
0x161: {  	v59 =	vperm.xlane v17, v0;
	s6 =	simm.s32 $0x3A00;
	v18 =	vadd.s32 v3, v58  }
0x162: {  	[tilespmem:s6], [sflag:$0x1] =	stream.indirect_vreg.gather [hbm4b:s16+s3], $0x80, v19, vm0, $0xb8;
	[tilespmem:$0x1D300] =	vst v63  }
0x163: {  	v60 =	vperm.xlane v17, v9;
	s15 =	simm.s32 $0x3A80;
	v19 =	vadd.s32 v3, v59  }
0x164: {  	[tilespmem:s15], [sflag:$0x1] =	stream.indirect_vreg.gather [hbm4b:s16+s3], $0x80, v57, vm0, $0xb8;
	[tilespmem:$0x1D300] =	vst v63  }
0x165: {  	v62 =	vperm.xlane v17, v10;
	v61 =	vadd.s32 v3, v60;
	s4 =	simm.s32 $0x3B00  }
0x166: {  	[tilespmem:s4], [sflag:$0x1] =	stream.indirect_vreg.gather [hbm4b:s16+s3], $0x80, v18, vm0, $0xb8;
	[tilespmem:$0x1D300] =	vst v63  }
0x167: {  	v63 =	vperm.xlane v17, v11;
	s5 =	simm.s32 $0x3B80;
	v18 =	vadd.s32 v3, v62  }
0x168: {  	[tilespmem:s5], [sflag:$0x1] =	stream.indirect_vreg.gather [hbm4b:s16+s3], $0x80, v19, vm0, $0xb8;
	[tilespmem:$0x1D300] =	vst v63  }
0x169: {  	v24 =	vperm.xlane v17, v12;
	s6 =	simm.s32 $0x3C00;
	v19 =	vadd.s32 v3, v63  }
0x16a: {  	[tilespmem:s6], [sflag:$0x1] =	stream.indirect_vreg.gather [hbm4b:s16+s3], $0x80, v61, vm0, $0xb8;
	[tilespmem:$0x1D300] =	vst v63  }
0x16b: {  	v26 =	vperm.xlane v17, v13;
	v25 =	vadd.s32 v3, v24;
	s15 =	simm.s32 $0x3C80  }
0x16c: {  	[tilespmem:s15], [sflag:$0x1] =	stream.indirect_vreg.gather [hbm4b:s16+s3], $0x80, v18, vm0, $0xb8;
	[tilespmem:$0x1D300] =	vst v63  }
0x16d: {  	v27 =	vperm.xlane v17, v14;
	s4 =	simm.s32 $0x3D00;
	v18 =	vadd.s32 v3, v26  }
0x16e: {  	[tilespmem:s4], [sflag:$0x1] =	stream.indirect_vreg.gather [hbm4b:s16+s3], $0x80, v19, vm0, $0xb8;
	[tilespmem:$0x1D300] =	vst v63  }
0x16f: {  	v28 =	vperm.xlane v17, v15;
	s5 =	simm.s32 $0x3D80;
	v19 =	vadd.s32 v3, v27  }
0x170: {  	[tilespmem:s5], [sflag:$0x1] =	stream.indirect_vreg.gather [hbm4b:s16+s3], $0x80, v25, vm0, $0xb8;
	[tilespmem:$0x1D300] =	vst v63  }
0x171: {  	v17 =	vperm.xlane v17, v16;
	v29 =	vadd.s32 v3, v28;
	s6 =	simm.s32 $0x3E00  }
0x172: {  	[tilespmem:s6], [sflag:$0x1] =	stream.indirect_vreg.gather [hbm4b:s16+s3], $0x80, v18, vm0, $0xb8;
	[tilespmem:$0x1D300] =	vst v63  }
0x173: {  	v17 =	vadd.s32 v3, v17;
	s15 =	simm.s32 $0x3E80  }
0x174: {  	[tilespmem:s15], [sflag:$0x1] =	stream.indirect_vreg.gather [hbm4b:s16+s3], $0x80, v19, vm0, $0xb8;
	[tilespmem:$0x1D300] =	vst v63  }
0x175: {  	s4 =	simm.s32 $0x3F00  }
0x176: {  	[tilespmem:s4], [sflag:$0x1] =	stream.indirect_vreg.gather [hbm4b:s16+s3], $0x80, v29, vm0, $0xb8;
	[tilespmem:$0x1D300] =	vst v63  }
0x177: {  	s5 =	simm.s32 $0x3F80  }
0x178: {  	[tilespmem:s5], [sflag:$0x1] =	stream.indirect_vreg.gather [hbm4b:s16+s3], $0x80, v17, vm0, $0xb8;
	[tilespmem:$0x1D300] =	vst v63  }
0x179: {  	v17 =	vld [tilespmem:$0x860];
	_ =	sdelay $0x4  }
0x17a: {  	v18 =	vshll.u32 v17, $0x1  }
0x17b: {  	v17 =	vand.u32 $0x7, v17;
	v18 =	vand.u32 $0xFFFFFFF0, v18  }
0x17c: {  	v17 =	vor.u32 v17, v18  }
0x17d: {  	v18 =	vperm.xlane v17, v2;
	_ =	sdelay $0x1  }
0x17e: {  	v19 =	vperm.xlane v17, v1;
	v18 =	vadd.s32 v3, v18;
	_ =	sdelay $0x1  }
0x17f: {  	v30 =	vperm.xlane v17, v4;
	v19 =	vadd.s32 v3, v19;
	_ =	sdelay $0x1  }
0x180: {  	s6 =	simm.s32 $0x4000;
	v31 =	vperm.xlane v17, v5;
	v20 =	vadd.s32 v3, v30  }
0x181: {  	[tilespmem:s6], [sflag:$0x1] =	stream.indirect_vreg.gather [hbm4b:s16+s3], $0x80, v18, vm0, $0xb8;
	[tilespmem:$0x1D300] =	vst v63  }
0x182: {  	s15 =	simm.s32 $0x4080;
	v32 =	vperm.xlane v17, v6;
	v18 =	vadd.s32 v3, v31  }
0x183: {  	[tilespmem:s15], [sflag:$0x1] =	stream.indirect_vreg.gather [hbm4b:s16+s3], $0x80, v19, vm0, $0xb8;
	[tilespmem:$0x1D300] =	vst v63  }
0x184: {  	s4 =	simm.s32 $0x4100;
	v33 =	vperm.xlane v17, v7;
	v19 =	vadd.s32 v3, v32  }
0x185: {  	[tilespmem:s4], [sflag:$0x1] =	stream.indirect_vreg.gather [hbm4b:s16+s3], $0x80, v20, vm0, $0xb8;
	[tilespmem:$0x1D300] =	vst v63  }
0x186: {  	s5 =	simm.s32 $0x4180;
	v35 =	vperm.xlane v17, v8;
	v34 =	vadd.s32 v3, v33  }
0x187: {  	[tilespmem:s5], [sflag:$0x1] =	stream.indirect_vreg.gather [hbm4b:s16+s3], $0x80, v18, vm0, $0xb8;
	[tilespmem:$0x1D300] =	vst v63  }
0x188: {  	v36 =	vperm.xlane v17, v0;
	s6 =	simm.s32 $0x4200;
	v18 =	vadd.s32 v3, v35  }
0x189: {  	[tilespmem:s6], [sflag:$0x1] =	stream.indirect_vreg.gather [hbm4b:s16+s3], $0x80, v19, vm0, $0xb8;
	[tilespmem:$0x1D300] =	vst v63  }
0x18a: {  	v37 =	vperm.xlane v17, v9;
	s15 =	simm.s32 $0x4280;
	v19 =	vadd.s32 v3, v36  }
0x18b: {  	[tilespmem:s15], [sflag:$0x1] =	stream.indirect_vreg.gather [hbm4b:s16+s3], $0x80, v34, vm0, $0xb8;
	[tilespmem:$0x1D300] =	vst v63  }
0x18c: {  	v39 =	vperm.xlane v17, v10;
	v38 =	vadd.s32 v3, v37;
	s4 =	simm.s32 $0x4300  }
0x18d: {  	[tilespmem:s4], [sflag:$0x1] =	stream.indirect_vreg.gather [hbm4b:s16+s3], $0x80, v18, vm0, $0xb8;
	[tilespmem:$0x1D300] =	vst v63  }
0x18e: {  	v40 =	vperm.xlane v17, v11;
	s5 =	simm.s32 $0x4380;
	v18 =	vadd.s32 v3, v39  }
0x18f: {  	[tilespmem:s5], [sflag:$0x1] =	stream.indirect_vreg.gather [hbm4b:s16+s3], $0x80, v19, vm0, $0xb8;
	[tilespmem:$0x1D300] =	vst v63  }
0x190: {  	v41 =	vperm.xlane v17, v12;
	s6 =	simm.s32 $0x4400;
	v19 =	vadd.s32 v3, v40  }
0x191: {  	[tilespmem:s6], [sflag:$0x1] =	stream.indirect_vreg.gather [hbm4b:s16+s3], $0x80, v38, vm0, $0xb8;
	[tilespmem:$0x1D300] =	vst v63  }
0x192: {  	v43 =	vperm.xlane v17, v13;
	v42 =	vadd.s32 v3, v41;
	s15 =	simm.s32 $0x4480  }
0x193: {  	[tilespmem:s15], [sflag:$0x1] =	stream.indirect_vreg.gather [hbm4b:s16+s3], $0x80, v18, vm0, $0xb8;
	[tilespmem:$0x1D300] =	vst v63  }
0x194: {  	v44 =	vperm.xlane v17, v14;
	s4 =	simm.s32 $0x4500;
	v18 =	vadd.s32 v3, v43  }
0x195: {  	[tilespmem:s4], [sflag:$0x1] =	stream.indirect_vreg.gather [hbm4b:s16+s3], $0x80, v19, vm0, $0xb8;
	[tilespmem:$0x1D300] =	vst v63  }
0x196: {  	v45 =	vperm.xlane v17, v15;
	s5 =	simm.s32 $0x4580;
	v19 =	vadd.s32 v3, v44  }
0x197: {  	[tilespmem:s5], [sflag:$0x1] =	stream.indirect_vreg.gather [hbm4b:s16+s3], $0x80, v42, vm0, $0xb8;
	[tilespmem:$0x1D300] =	vst v63  }
0x198: {  	v17 =	vperm.xlane v17, v16;
	v46 =	vadd.s32 v3, v45;
	s6 =	simm.s32 $0x4600  }
0x199: {  	[tilespmem:s6], [sflag:$0x1] =	stream.indirect_vreg.gather [hbm4b:s16+s3], $0x80, v18, vm0, $0xb8;
	[tilespmem:$0x1D300] =	vst v63  }
0x19a: {  	v17 =	vadd.s32 v3, v17;
	s15 =	simm.s32 $0x4680  }
0x19b: {  	[tilespmem:s15], [sflag:$0x1] =	stream.indirect_vreg.gather [hbm4b:s16+s3], $0x80, v19, vm0, $0xb8;
	[tilespmem:$0x1D300] =	vst v63  }
0x19c: {  	s4 =	simm.s32 $0x4700  }
0x19d: {  	[tilespmem:s4], [sflag:$0x1] =	stream.indirect_vreg.gather [hbm4b:s16+s3], $0x80, v46, vm0, $0xb8;
	[tilespmem:$0x1D300] =	vst v63  }
0x19e: {  	s5 =	simm.s32 $0x4780  }
0x19f: {  	[tilespmem:s5], [sflag:$0x1] =	stream.indirect_vreg.gather [hbm4b:s16+s3], $0x80, v17, vm0, $0xb8;
	[tilespmem:$0x1D300] =	vst v63  }
0x1a0: {  	v17 =	vld [tilespmem:$0x870];
	_ =	sdelay $0x4  }
0x1a1: {  	v18 =	vshll.u32 v17, $0x1  }
0x1a2: {  	v17 =	vand.u32 $0x7, v17;
	v18 =	vand.u32 $0xFFFFFFF0, v18  }
0x1a3: {  	v17 =	vor.u32 v17, v18  }
0x1a4: {  	v18 =	vperm.xlane v17, v2;
	_ =	sdelay $0x1  }
0x1a5: {  	v19 =	vperm.xlane v17, v1;
	v18 =	vadd.s32 v3, v18;
	_ =	sdelay $0x1  }
0x1a6: {  	v47 =	vperm.xlane v17, v4;
	v19 =	vadd.s32 v3, v19;
	_ =	sdelay $0x1  }
0x1a7: {  	s6 =	simm.s32 $0x4800;
	v48 =	vperm.xlane v17, v5;
	v20 =	vadd.s32 v3, v47  }
0x1a8: {  	[tilespmem:s6], [sflag:$0x1] =	stream.indirect_vreg.gather [hbm4b:s16+s3], $0x80, v18, vm0, $0xb8;
	[tilespmem:$0x1D300] =	vst v63  }
0x1a9: {  	s15 =	simm.s32 $0x4880;
	v49 =	vperm.xlane v17, v6;
	v18 =	vadd.s32 v3, v48  }
0x1aa: {  	[tilespmem:s15], [sflag:$0x1] =	stream.indirect_vreg.gather [hbm4b:s16+s3], $0x80, v19, vm0, $0xb8;
	[tilespmem:$0x1D300] =	vst v63  }
0x1ab: {  	s4 =	simm.s32 $0x4900;
	v50 =	vperm.xlane v17, v7;
	v19 =	vadd.s32 v3, v49  }
0x1ac: {  	[tilespmem:s4], [sflag:$0x1] =	stream.indirect_vreg.gather [hbm4b:s16+s3], $0x80, v20, vm0, $0xb8;
	[tilespmem:$0x1D300] =	vst v63  }
0x1ad: {  	s5 =	simm.s32 $0x4980;
	v52 =	vperm.xlane v17, v8;
	v51 =	vadd.s32 v3, v50  }
0x1ae: {  	[tilespmem:s5], [sflag:$0x1] =	stream.indirect_vreg.gather [hbm4b:s16+s3], $0x80, v18, vm0, $0xb8;
	[tilespmem:$0x1D300] =	vst v63  }
0x1af: {  	v53 =	vperm.xlane v17, v0;
	s6 =	simm.s32 $0x4A00;
	v18 =	vadd.s32 v3, v52  }
0x1b0: {  	[tilespmem:s6], [sflag:$0x1] =	stream.indirect_vreg.gather [hbm4b:s16+s3], $0x80, v19, vm0, $0xb8;
	[tilespmem:$0x1D300] =	vst v63  }
0x1b1: {  	v54 =	vperm.xlane v17, v9;
	s15 =	simm.s32 $0x4A80;
	v19 =	vadd.s32 v3, v53  }
0x1b2: {  	[tilespmem:s15], [sflag:$0x1] =	stream.indirect_vreg.gather [hbm4b:s16+s3], $0x80, v51, vm0, $0xb8;
	[tilespmem:$0x1D300] =	vst v63  }
0x1b3: {  	v56 =	vperm.xlane v17, v10;
	v55 =	vadd.s32 v3, v54  }
0x1b4: {  	[tilespmem:s7], [sflag:$0x1] =	stream.indirect_vreg.gather [hbm4b:s16+s3], $0x80, v18, vm0, $0xb8;
	[tilespmem:$0x1D300] =	vst v63  }
0x1b5: {  	v57 =	vperm.xlane v17, v11;
	v18 =	vadd.s32 v3, v56  }
0x1b6: {  	[tilespmem:s8], [sflag:$0x1] =	stream.indirect_vreg.gather [hbm4b:s16+s3], $0x80, v19, vm0, $0xb8;
	[tilespmem:$0x1D300] =	vst v63  }
0x1b7: {  	v58 =	vperm.xlane v17, v12;
	v19 =	vadd.s32 v3, v57  }
0x1b8: {  	[tilespmem:s9], [sflag:$0x1] =	stream.indirect_vreg.gather [hbm4b:s16+s3], $0x80, v55, vm0, $0xb8;
	[tilespmem:$0x1D300] =	vst v63  }
0x1b9: {  	v60 =	vperm.xlane v17, v13;
	v59 =	vadd.s32 v3, v58  }
0x1ba: {  	[tilespmem:s13], [sflag:$0x1] =	stream.indirect_vreg.gather [hbm4b:s16+s3], $0x80, v18, vm0, $0xb8;
	[tilespmem:$0x1D300] =	vst v63  }
0x1bb: {  	v61 =	vperm.xlane v17, v14;
	v18 =	vadd.s32 v3, v60  }
0x1bc: {  	[tilespmem:s14], [sflag:$0x1] =	stream.indirect_vreg.gather [hbm4b:s16+s3], $0x80, v19, vm0, $0xb8;
	[tilespmem:$0x1D300] =	vst v63  }
0x1bd: {  	v62 =	vperm.xlane v17, v15;
	v19 =	vadd.s32 v3, v61  }
0x1be: {  	[tilespmem:s17], [sflag:$0x1] =	stream.indirect_vreg.gather [hbm4b:s16+s3], $0x80, v59, vm0, $0xb8;
	[tilespmem:$0x1D300] =	vst v63  }
0x1bf: {  	v17 =	vperm.xlane v17, v16;
	v63 =	vadd.s32 v3, v62  }
0x1c0: {  	[tilespmem:s18], [sflag:$0x1] =	stream.indirect_vreg.gather [hbm4b:s16+s3], $0x80, v18, vm0, $0xb8;
	[tilespmem:$0x1D300] =	vst v63  }
0x1c1: {  	v17 =	vadd.s32 v3, v17  }
0x1c2: {  	[tilespmem:s19], [sflag:$0x1] =	stream.indirect_vreg.gather [hbm4b:s16+s3], $0x80, v19, vm0, $0xb8;
	[tilespmem:$0x1D300] =	vst v63  }
0x1c3: {  	_ = 	snop  }
0x1c4: {  	[tilespmem:s20], [sflag:$0x1] =	stream.indirect_vreg.gather [hbm4b:s16+s3], $0x80, v63, vm0, $0xb8;
	[tilespmem:$0x1D300] =	vst v63  }
0x1c5: {  	_ = 	snop  }
0x1c6: {  	[tilespmem:s21], [sflag:$0x1] =	stream.indirect_vreg.gather [hbm4b:s16+s3], $0x80, v17, vm0, $0xb8;
	[tilespmem:$0x1D300] =	vst v63  }
.LBB2_4:
0x1c7: {  	s0 =	sand.u32 $0x1, s30  }
0x1c8: {  	p4 =	seq.s32 s30, $0x0;
	s6 =	sadd.s32 $0xFFFFFE00, s11;
	s4 =	sadd.s32 $0x1, s0  }
0x1c9: {  	p5 =	sge.u32 s30, s28;
	s15 =	sshll.u32 s0, $0xE;
	_ =	swait.ge [sflag:s4], $0x4000  }
0x1ca: {  	s6 =	sand.u32 $0x1E00, s6;
	s5 =	sadd.s32 $0x3, s0;
	[sflag:s4] =	ssyncset.done $0x0  }
0x1cb: {  	[sflag:s4] =	ssyncadd.s32 $0xFFFFC000;
	s4 =	sor.u32 $0x1000, s15;
	s15 =	sshrl.u32 s6, $0x2  }
0x1cc: {  	[spmem:s1] =	stream.indirect.scatter.add.f32 [tilespmem:s4], [sflag:s5], $0x80, s15, s22, $0xb8;
	[tilespmem:$0x1D300] =	vst v63  }
.Ltmp5:
0x1cd: {  	s4 =	sxor.u32 @!p4 $0x1, s0;
	(pc) =	sbr.rel @p5 .LBB2_6-.Ltmp5, $4  }
0x1ce: {  	s4 =	sadd.s32 @!p4 $0x3, s4  }
0x1cf: {  	_ =	swait.ge @!p4 [sflag:s4], $0x4000  }
0x1d0: {  	[sflag:s4] =	ssyncset.done @!p4 $0x0  }
0x1d1: {  	[sflag:s4] =	ssyncadd.s32 @!p4 $0xFFFFC000  }
0x1d2: {  	s4 =	sshrl.u32 s11, $0x2  }
0x1d3: {  	s6 =	sand.u32 $0x780, s4  }
0x1d4: {  	v17 =	vld [tilespmem:s6+$0x800];
	_ =	sdelay $0x4  }
0x1d5: {  	v18 =	vshll.u32 v17, $0x1  }
0x1d6: {  	v17 =	vand.u32 $0x7, v17;
	v18 =	vand.u32 $0xFFFFFFF0, v18  }
0x1d7: {  	v17 =	vor.u32 v17, v18  }
0x1d8: {  	v18 =	vperm.xlane v17, v2;
	_ =	sdelay $0x1  }
0x1d9: {  	v19 =	vperm.xlane v17, v1;
	v18 =	vadd.s32 v3, v18;
	_ =	sdelay $0x1  }
0x1da: {  	s0 =	sxor.u32 $0x1, s0;
	v20 =	vperm.xlane v17, v4;
	v19 =	vadd.s32 v3, v19  }
0x1db: {  	s4 =	sshll.u32 s0, $0xE  }
0x1dc: {  	s0 =	sadd.s32 $0x1, s0;
	s5 =	sor.u32 $0x1000, s4;
	v21 =	vperm.xlane v17, v5;
	v20 =	vadd.s32 v3, v20  }
0x1dd: {  	[tilespmem:s5], [sflag:s0] =	stream.indirect_vreg.gather [hbm4b:s16+s3], $0x80, v18, vm0, $0xb8;
	[tilespmem:$0x1D300] =	vst v63  }
0x1de: {  	v50 =	vperm.xlane v17, v6;
	s5 =	sor.u32 $0x1080, s4;
	v18 =	vadd.s32 v3, v21  }
0x1df: {  	[tilespmem:s5], [sflag:s0] =	stream.indirect_vreg.gather [hbm4b:s16+s3], $0x80, v19, vm0, $0xb8;
	[tilespmem:$0x1D300] =	vst v63  }
0x1e0: {  	v51 =	vperm.xlane v17, v7;
	s5 =	sor.u32 $0x1100, s4;
	v19 =	vadd.s32 v3, v50  }
0x1e1: {  	[tilespmem:s5], [sflag:s0] =	stream.indirect_vreg.gather [hbm4b:s16+s3], $0x80, v20, vm0, $0xb8;
	[tilespmem:$0x1D300] =	vst v63  }
0x1e2: {  	v53 =	vperm.xlane v17, v8;
	v52 =	vadd.s32 v3, v51;
	s5 =	sor.u32 $0x1180, s4  }
0x1e3: {  	[tilespmem:s5], [sflag:s0] =	stream.indirect_vreg.gather [hbm4b:s16+s3], $0x80, v18, vm0, $0xb8;
	[tilespmem:$0x1D300] =	vst v63  }
0x1e4: {  	v54 =	vperm.xlane v17, v0;
	s5 =	sor.u32 $0x1200, s4;
	v18 =	vadd.s32 v3, v53  }
0x1e5: {  	[tilespmem:s5], [sflag:s0] =	stream.indirect_vreg.gather [hbm4b:s16+s3], $0x80, v19, vm0, $0xb8;
	[tilespmem:$0x1D300] =	vst v63  }
0x1e6: {  	v55 =	vperm.xlane v17, v9;
	s5 =	sor.u32 $0x1280, s4;
	v19 =	vadd.s32 v3, v54  }
0x1e7: {  	[tilespmem:s5], [sflag:s0] =	stream.indirect_vreg.gather [hbm4b:s16+s3], $0x80, v52, vm0, $0xb8;
	[tilespmem:$0x1D300] =	vst v63  }
0x1e8: {  	v57 =	vperm.xlane v17, v10;
	v56 =	vadd.s32 v3, v55;
	s5 =	sor.u32 $0x1300, s4  }
0x1e9: {  	[tilespmem:s5], [sflag:s0] =	stream.indirect_vreg.gather [hbm4b:s16+s3], $0x80, v18, vm0, $0xb8;
	[tilespmem:$0x1D300] =	vst v63  }
0x1ea: {  	v58 =	vperm.xlane v17, v11;
	s5 =	sor.u32 $0x1380, s4;
	v18 =	vadd.s32 v3, v57  }
0x1eb: {  	[tilespmem:s5], [sflag:s0] =	stream.indirect_vreg.gather [hbm4b:s16+s3], $0x80, v19, vm0, $0xb8;
	[tilespmem:$0x1D300] =	vst v63  }
0x1ec: {  	v59 =	vperm.xlane v17, v12;
	s5 =	sor.u32 $0x1400, s4;
	v19 =	vadd.s32 v3, v58  }
0x1ed: {  	[tilespmem:s5], [sflag:s0] =	stream.indirect_vreg.gather [hbm4b:s16+s3], $0x80, v56, vm0, $0xb8;
	[tilespmem:$0x1D300] =	vst v63  }
0x1ee: {  	v61 =	vperm.xlane v17, v13;
	v60 =	vadd.s32 v3, v59;
	s5 =	sor.u32 $0x1480, s4  }
0x1ef: {  	[tilespmem:s5], [sflag:s0] =	stream.indirect_vreg.gather [hbm4b:s16+s3], $0x80, v18, vm0, $0xb8;
	[tilespmem:$0x1D300] =	vst v63  }
0x1f0: {  	v62 =	vperm.xlane v17, v14;
	s5 =	sor.u32 $0x1500, s4;
	v18 =	vadd.s32 v3, v61  }
0x1f1: {  	[tilespmem:s5], [sflag:s0] =	stream.indirect_vreg.gather [hbm4b:s16+s3], $0x80, v19, vm0, $0xb8;
	[tilespmem:$0x1D300] =	vst v63  }
0x1f2: {  	v63 =	vperm.xlane v17, v15;
	s5 =	sor.u32 $0x1580, s4;
	v19 =	vadd.s32 v3, v62  }
0x1f3: {  	[tilespmem:s5], [sflag:s0] =	stream.indirect_vreg.gather [hbm4b:s16+s3], $0x80, v60, vm0, $0xb8;
	[tilespmem:$0x1D300] =	vst v63  }
0x1f4: {  	v17 =	vperm.xlane v17, v16;
	v24 =	vadd.s32 v3, v63;
	s5 =	sor.u32 $0x1600, s4  }
0x1f5: {  	[tilespmem:s5], [sflag:s0] =	stream.indirect_vreg.gather [hbm4b:s16+s3], $0x80, v18, vm0, $0xb8;
	[tilespmem:$0x1D300] =	vst v63  }
0x1f6: {  	v17 =	vadd.s32 v3, v17;
	s5 =	sor.u32 $0x1680, s4  }
0x1f7: {  	[tilespmem:s5], [sflag:s0] =	stream.indirect_vreg.gather [hbm4b:s16+s3], $0x80, v19, vm0, $0xb8;
	[tilespmem:$0x1D300] =	vst v63  }
0x1f8: {  	s5 =	sor.u32 $0x1700, s4  }
0x1f9: {  	[tilespmem:s5], [sflag:s0] =	stream.indirect_vreg.gather [hbm4b:s16+s3], $0x80, v24, vm0, $0xb8;
	[tilespmem:$0x1D300] =	vst v63  }
0x1fa: {  	s5 =	sor.u32 $0x1780, s4  }
0x1fb: {  	[tilespmem:s5], [sflag:s0] =	stream.indirect_vreg.gather [hbm4b:s16+s3], $0x80, v17, vm0, $0xb8;
	[tilespmem:$0x1D300] =	vst v63  }
0x1fc: {  	v17 =	vld [tilespmem:s6+$0x810];
	_ =	sdelay $0x4  }
0x1fd: {  	v18 =	vshll.u32 v17, $0x1  }
0x1fe: {  	v17 =	vand.u32 $0x7, v17;
	v18 =	vand.u32 $0xFFFFFFF0, v18  }
0x1ff: {  	v17 =	vor.u32 v17, v18  }
0x200: {  	v18 =	vperm.xlane v17, v2;
	_ =	sdelay $0x1  }
0x201: {  	v19 =	vperm.xlane v17, v1;
	v18 =	vadd.s32 v3, v18;
	_ =	sdelay $0x1  }
0x202: {  	v25 =	vperm.xlane v17, v4;
	v19 =	vadd.s32 v3, v19;
	_ =	sdelay $0x1  }
0x203: {  	s5 =	sor.u32 $0x1800, s4;
	v26 =	vperm.xlane v17, v5;
	v20 =	vadd.s32 v3, v25  }
0x204: {  	[tilespmem:s5], [sflag:s0] =	stream.indirect_vreg.gather [hbm4b:s16+s3], $0x80, v18, vm0, $0xb8;
	[tilespmem:$0x1D300] =	vst v63  }
0x205: {  	v27 =	vperm.xlane v17, v6;
	s5 =	sor.u32 $0x1880, s4;
	v18 =	vadd.s32 v3, v26  }
0x206: {  	[tilespmem:s5], [sflag:s0] =	stream.indirect_vreg.gather [hbm4b:s16+s3], $0x80, v19, vm0, $0xb8;
	[tilespmem:$0x1D300] =	vst v63  }
0x207: {  	v28 =	vperm.xlane v17, v7;
	s5 =	sor.u32 $0x1900, s4;
	v19 =	vadd.s32 v3, v27  }
0x208: {  	[tilespmem:s5], [sflag:s0] =	stream.indirect_vreg.gather [hbm4b:s16+s3], $0x80, v20, vm0, $0xb8;
	[tilespmem:$0x1D300] =	vst v63  }
0x209: {  	v30 =	vperm.xlane v17, v8;
	v29 =	vadd.s32 v3, v28;
	s5 =	sor.u32 $0x1980, s4  }
0x20a: {  	[tilespmem:s5], [sflag:s0] =	stream.indirect_vreg.gather [hbm4b:s16+s3], $0x80, v18, vm0, $0xb8;
	[tilespmem:$0x1D300] =	vst v63  }
0x20b: {  	v31 =	vperm.xlane v17, v0;
	s5 =	sor.u32 $0x1A00, s4;
	v18 =	vadd.s32 v3, v30  }
0x20c: {  	[tilespmem:s5], [sflag:s0] =	stream.indirect_vreg.gather [hbm4b:s16+s3], $0x80, v19, vm0, $0xb8;
	[tilespmem:$0x1D300] =	vst v63  }
0x20d: {  	v32 =	vperm.xlane v17, v9;
	s5 =	sor.u32 $0x1A80, s4;
	v19 =	vadd.s32 v3, v31  }
0x20e: {  	[tilespmem:s5], [sflag:s0] =	stream.indirect_vreg.gather [hbm4b:s16+s3], $0x80, v29, vm0, $0xb8;
	[tilespmem:$0x1D300] =	vst v63  }
0x20f: {  	v34 =	vperm.xlane v17, v10;
	v33 =	vadd.s32 v3, v32;
	s5 =	sor.u32 $0x1B00, s4  }
0x210: {  	[tilespmem:s5], [sflag:s0] =	stream.indirect_vreg.gather [hbm4b:s16+s3], $0x80, v18, vm0, $0xb8;
	[tilespmem:$0x1D300] =	vst v63  }
0x211: {  	v35 =	vperm.xlane v17, v11;
	s5 =	sor.u32 $0x1B80, s4;
	v18 =	vadd.s32 v3, v34  }
0x212: {  	[tilespmem:s5], [sflag:s0] =	stream.indirect_vreg.gather [hbm4b:s16+s3], $0x80, v19, vm0, $0xb8;
	[tilespmem:$0x1D300] =	vst v63  }
0x213: {  	v36 =	vperm.xlane v17, v12;
	s5 =	sor.u32 $0x1C00, s4;
	v19 =	vadd.s32 v3, v35  }
0x214: {  	[tilespmem:s5], [sflag:s0] =	stream.indirect_vreg.gather [hbm4b:s16+s3], $0x80, v33, vm0, $0xb8;
	[tilespmem:$0x1D300] =	vst v63  }
0x215: {  	v38 =	vperm.xlane v17, v13;
	v37 =	vadd.s32 v3, v36;
	s5 =	sor.u32 $0x1C80, s4  }
0x216: {  	[tilespmem:s5], [sflag:s0] =	stream.indirect_vreg.gather [hbm4b:s16+s3], $0x80, v18, vm0, $0xb8;
	[tilespmem:$0x1D300] =	vst v63  }
0x217: {  	v39 =	vperm.xlane v17, v14;
	s5 =	sor.u32 $0x1D00, s4;
	v18 =	vadd.s32 v3, v38  }
0x218: {  	[tilespmem:s5], [sflag:s0] =	stream.indirect_vreg.gather [hbm4b:s16+s3], $0x80, v19, vm0, $0xb8;
	[tilespmem:$0x1D300] =	vst v63  }
0x219: {  	v40 =	vperm.xlane v17, v15;
	s5 =	sor.u32 $0x1D80, s4;
	v19 =	vadd.s32 v3, v39  }
0x21a: {  	[tilespmem:s5], [sflag:s0] =	stream.indirect_vreg.gather [hbm4b:s16+s3], $0x80, v37, vm0, $0xb8;
	[tilespmem:$0x1D300] =	vst v63  }
0x21b: {  	v17 =	vperm.xlane v17, v16;
	v41 =	vadd.s32 v3, v40;
	s5 =	sor.u32 $0x1E00, s4  }
0x21c: {  	[tilespmem:s5], [sflag:s0] =	stream.indirect_vreg.gather [hbm4b:s16+s3], $0x80, v18, vm0, $0xb8;
	[tilespmem:$0x1D300] =	vst v63  }
0x21d: {  	v17 =	vadd.s32 v3, v17;
	s5 =	sor.u32 $0x1E80, s4  }
0x21e: {  	[tilespmem:s5], [sflag:s0] =	stream.indirect_vreg.gather [hbm4b:s16+s3], $0x80, v19, vm0, $0xb8;
	[tilespmem:$0x1D300] =	vst v63  }
0x21f: {  	s5 =	sor.u32 $0x1F00, s4  }
0x220: {  	[tilespmem:s5], [sflag:s0] =	stream.indirect_vreg.gather [hbm4b:s16+s3], $0x80, v41, vm0, $0xb8;
	[tilespmem:$0x1D300] =	vst v63  }
0x221: {  	s5 =	sor.u32 $0x1F80, s4  }
0x222: {  	[tilespmem:s5], [sflag:s0] =	stream.indirect_vreg.gather [hbm4b:s16+s3], $0x80, v17, vm0, $0xb8;
	[tilespmem:$0x1D300] =	vst v63  }
0x223: {  	v17 =	vld [tilespmem:s6+$0x820];
	_ =	sdelay $0x4  }
0x224: {  	v18 =	vshll.u32 v17, $0x1  }
0x225: {  	v17 =	vand.u32 $0x7, v17;
	v18 =	vand.u32 $0xFFFFFFF0, v18  }
0x226: {  	v17 =	vor.u32 v17, v18  }
0x227: {  	v18 =	vperm.xlane v17, v2;
	_ =	sdelay $0x1  }
0x228: {  	v19 =	vperm.xlane v17, v1;
	v18 =	vadd.s32 v3, v18;
	_ =	sdelay $0x1  }
0x229: {  	v42 =	vperm.xlane v17, v4;
	v19 =	vadd.s32 v3, v19;
	_ =	sdelay $0x1  }
0x22a: {  	s5 =	sor.u32 $0x2000, s4;
	v43 =	vperm.xlane v17, v5;
	v20 =	vadd.s32 v3, v42  }
0x22b: {  	[tilespmem:s5], [sflag:s0] =	stream.indirect_vreg.gather [hbm4b:s16+s3], $0x80, v18, vm0, $0xb8;
	[tilespmem:$0x1D300] =	vst v63  }
0x22c: {  	v44 =	vperm.xlane v17, v6;
	s5 =	sor.u32 $0x2080, s4;
	v18 =	vadd.s32 v3, v43  }
0x22d: {  	[tilespmem:s5], [sflag:s0] =	stream.indirect_vreg.gather [hbm4b:s16+s3], $0x80, v19, vm0, $0xb8;
	[tilespmem:$0x1D300] =	vst v63  }
0x22e: {  	v45 =	vperm.xlane v17, v7;
	s5 =	sor.u32 $0x2100, s4;
	v19 =	vadd.s32 v3, v44  }
0x22f: {  	[tilespmem:s5], [sflag:s0] =	stream.indirect_vreg.gather [hbm4b:s16+s3], $0x80, v20, vm0, $0xb8;
	[tilespmem:$0x1D300] =	vst v63  }
0x230: {  	v47 =	vperm.xlane v17, v8;
	v46 =	vadd.s32 v3, v45;
	s5 =	sor.u32 $0x2180, s4  }
0x231: {  	[tilespmem:s5], [sflag:s0] =	stream.indirect_vreg.gather [hbm4b:s16+s3], $0x80, v18, vm0, $0xb8;
	[tilespmem:$0x1D300] =	vst v63  }
0x232: {  	v48 =	vperm.xlane v17, v0;
	s5 =	sor.u32 $0x2200, s4;
	v18 =	vadd.s32 v3, v47  }
0x233: {  	[tilespmem:s5], [sflag:s0] =	stream.indirect_vreg.gather [hbm4b:s16+s3], $0x80, v19, vm0, $0xb8;
	[tilespmem:$0x1D300] =	vst v63  }
0x234: {  	v49 =	vperm.xlane v17, v9;
	s5 =	sor.u32 $0x2280, s4;
	v19 =	vadd.s32 v3, v48  }
0x235: {  	[tilespmem:s5], [sflag:s0] =	stream.indirect_vreg.gather [hbm4b:s16+s3], $0x80, v46, vm0, $0xb8;
	[tilespmem:$0x1D300] =	vst v63  }
0x236: {  	v51 =	vperm.xlane v17, v10;
	v50 =	vadd.s32 v3, v49;
	s5 =	sor.u32 $0x2300, s4  }
0x237: {  	[tilespmem:s5], [sflag:s0] =	stream.indirect_vreg.gather [hbm4b:s16+s3], $0x80, v18, vm0, $0xb8;
	[tilespmem:$0x1D300] =	vst v63  }
0x238: {  	v52 =	vperm.xlane v17, v11;
	s5 =	sor.u32 $0x2380, s4;
	v18 =	vadd.s32 v3, v51  }
0x239: {  	[tilespmem:s5], [sflag:s0] =	stream.indirect_vreg.gather [hbm4b:s16+s3], $0x80, v19, vm0, $0xb8;
	[tilespmem:$0x1D300] =	vst v63  }
0x23a: {  	v53 =	vperm.xlane v17, v12;
	s5 =	sor.u32 $0x2400, s4;
	v19 =	vadd.s32 v3, v52  }
0x23b: {  	[tilespmem:s5], [sflag:s0] =	stream.indirect_vreg.gather [hbm4b:s16+s3], $0x80, v50, vm0, $0xb8;
	[tilespmem:$0x1D300] =	vst v63  }
0x23c: {  	v55 =	vperm.xlane v17, v13;
	v54 =	vadd.s32 v3, v53;
	s5 =	sor.u32 $0x2480, s4  }
0x23d: {  	[tilespmem:s5], [sflag:s0] =	stream.indirect_vreg.gather [hbm4b:s16+s3], $0x80, v18, vm0, $0xb8;
	[tilespmem:$0x1D300] =	vst v63  }
0x23e: {  	v56 =	vperm.xlane v17, v14;
	s5 =	sor.u32 $0x2500, s4;
	v18 =	vadd.s32 v3, v55  }
0x23f: {  	[tilespmem:s5], [sflag:s0] =	stream.indirect_vreg.gather [hbm4b:s16+s3], $0x80, v19, vm0, $0xb8;
	[tilespmem:$0x1D300] =	vst v63  }
0x240: {  	v57 =	vperm.xlane v17, v15;
	s5 =	sor.u32 $0x2580, s4;
	v19 =	vadd.s32 v3, v56  }
0x241: {  	[tilespmem:s5], [sflag:s0] =	stream.indirect_vreg.gather [hbm4b:s16+s3], $0x80, v54, vm0, $0xb8;
	[tilespmem:$0x1D300] =	vst v63  }
0x242: {  	v17 =	vperm.xlane v17, v16;
	v58 =	vadd.s32 v3, v57;
	s5 =	sor.u32 $0x2600, s4  }
0x243: {  	[tilespmem:s5], [sflag:s0] =	stream.indirect_vreg.gather [hbm4b:s16+s3], $0x80, v18, vm0, $0xb8;
	[tilespmem:$0x1D300] =	vst v63  }
0x244: {  	v17 =	vadd.s32 v3, v17;
	s5 =	sor.u32 $0x2680, s4  }
0x245: {  	[tilespmem:s5], [sflag:s0] =	stream.indirect_vreg.gather [hbm4b:s16+s3], $0x80, v19, vm0, $0xb8;
	[tilespmem:$0x1D300] =	vst v63  }
0x246: {  	s5 =	sor.u32 $0x2700, s4  }
0x247: {  	[tilespmem:s5], [sflag:s0] =	stream.indirect_vreg.gather [hbm4b:s16+s3], $0x80, v58, vm0, $0xb8;
	[tilespmem:$0x1D300] =	vst v63  }
0x248: {  	s5 =	sor.u32 $0x2780, s4  }
0x249: {  	[tilespmem:s5], [sflag:s0] =	stream.indirect_vreg.gather [hbm4b:s16+s3], $0x80, v17, vm0, $0xb8;
	[tilespmem:$0x1D300] =	vst v63  }
0x24a: {  	v17 =	vld [tilespmem:s6+$0x830];
	_ =	sdelay $0x4  }
0x24b: {  	v18 =	vshll.u32 v17, $0x1  }
0x24c: {  	v17 =	vand.u32 $0x7, v17;
	v18 =	vand.u32 $0xFFFFFFF0, v18  }
0x24d: {  	v17 =	vor.u32 v17, v18  }
0x24e: {  	v18 =	vperm.xlane v17, v2;
	_ =	sdelay $0x1  }
0x24f: {  	v19 =	vperm.xlane v17, v1;
	v18 =	vadd.s32 v3, v18;
	_ =	sdelay $0x1  }
0x250: {  	v59 =	vperm.xlane v17, v4;
	v19 =	vadd.s32 v3, v19;
	_ =	sdelay $0x1  }
0x251: {  	s5 =	sor.u32 $0x2800, s4;
	v60 =	vperm.xlane v17, v5;
	v20 =	vadd.s32 v3, v59  }
0x252: {  	[tilespmem:s5], [sflag:s0] =	stream.indirect_vreg.gather [hbm4b:s16+s3], $0x80, v18, vm0, $0xb8;
	[tilespmem:$0x1D300] =	vst v63  }
0x253: {  	v61 =	vperm.xlane v17, v6;
	s5 =	sor.u32 $0x2880, s4;
	v18 =	vadd.s32 v3, v60  }
0x254: {  	[tilespmem:s5], [sflag:s0] =	stream.indirect_vreg.gather [hbm4b:s16+s3], $0x80, v19, vm0, $0xb8;
	[tilespmem:$0x1D300] =	vst v63  }
0x255: {  	v62 =	vperm.xlane v17, v7;
	s5 =	sor.u32 $0x2900, s4;
	v19 =	vadd.s32 v3, v61  }
0x256: {  	[tilespmem:s5], [sflag:s0] =	stream.indirect_vreg.gather [hbm4b:s16+s3], $0x80, v20, vm0, $0xb8;
	[tilespmem:$0x1D300] =	vst v63  }
0x257: {  	v24 =	vperm.xlane v17, v8;
	v63 =	vadd.s32 v3, v62;
	s5 =	sor.u32 $0x2980, s4  }
0x258: {  	[tilespmem:s5], [sflag:s0] =	stream.indirect_vreg.gather [hbm4b:s16+s3], $0x80, v18, vm0, $0xb8;
	[tilespmem:$0x1D300] =	vst v63  }
0x259: {  	v25 =	vperm.xlane v17, v0;
	s5 =	sor.u32 $0x2A00, s4;
	v18 =	vadd.s32 v3, v24  }
0x25a: {  	[tilespmem:s5], [sflag:s0] =	stream.indirect_vreg.gather [hbm4b:s16+s3], $0x80, v19, vm0, $0xb8;
	[tilespmem:$0x1D300] =	vst v63  }
0x25b: {  	v26 =	vperm.xlane v17, v9;
	s5 =	sor.u32 $0x2A80, s4;
	v19 =	vadd.s32 v3, v25  }
0x25c: {  	[tilespmem:s5], [sflag:s0] =	stream.indirect_vreg.gather [hbm4b:s16+s3], $0x80, v63, vm0, $0xb8;
	[tilespmem:$0x1D300] =	vst v63  }
0x25d: {  	v28 =	vperm.xlane v17, v10;
	v27 =	vadd.s32 v3, v26;
	s5 =	sor.u32 $0x2B00, s4  }
0x25e: {  	[tilespmem:s5], [sflag:s0] =	stream.indirect_vreg.gather [hbm4b:s16+s3], $0x80, v18, vm0, $0xb8;
	[tilespmem:$0x1D300] =	vst v63  }
0x25f: {  	v29 =	vperm.xlane v17, v11;
	s5 =	sor.u32 $0x2B80, s4;
	v18 =	vadd.s32 v3, v28  }
0x260: {  	[tilespmem:s5], [sflag:s0] =	stream.indirect_vreg.gather [hbm4b:s16+s3], $0x80, v19, vm0, $0xb8;
	[tilespmem:$0x1D300] =	vst v63  }
0x261: {  	v30 =	vperm.xlane v17, v12;
	s5 =	sor.u32 $0x2C00, s4;
	v19 =	vadd.s32 v3, v29  }
0x262: {  	[tilespmem:s5], [sflag:s0] =	stream.indirect_vreg.gather [hbm4b:s16+s3], $0x80, v27, vm0, $0xb8;
	[tilespmem:$0x1D300] =	vst v63  }
0x263: {  	v32 =	vperm.xlane v17, v13;
	v31 =	vadd.s32 v3, v30;
	s5 =	sor.u32 $0x2C80, s4  }
0x264: {  	[tilespmem:s5], [sflag:s0] =	stream.indirect_vreg.gather [hbm4b:s16+s3], $0x80, v18, vm0, $0xb8;
	[tilespmem:$0x1D300] =	vst v63  }
0x265: {  	v33 =	vperm.xlane v17, v14;
	s5 =	sor.u32 $0x2D00, s4;
	v18 =	vadd.s32 v3, v32  }
0x266: {  	[tilespmem:s5], [sflag:s0] =	stream.indirect_vreg.gather [hbm4b:s16+s3], $0x80, v19, vm0, $0xb8;
	[tilespmem:$0x1D300] =	vst v63  }
0x267: {  	v34 =	vperm.xlane v17, v15;
	s5 =	sor.u32 $0x2D80, s4;
	v19 =	vadd.s32 v3, v33  }
0x268: {  	[tilespmem:s5], [sflag:s0] =	stream.indirect_vreg.gather [hbm4b:s16+s3], $0x80, v31, vm0, $0xb8;
	[tilespmem:$0x1D300] =	vst v63  }
0x269: {  	v17 =	vperm.xlane v17, v16;
	v35 =	vadd.s32 v3, v34;
	s5 =	sor.u32 $0x2E00, s4  }
0x26a: {  	[tilespmem:s5], [sflag:s0] =	stream.indirect_vreg.gather [hbm4b:s16+s3], $0x80, v18, vm0, $0xb8;
	[tilespmem:$0x1D300] =	vst v63  }
0x26b: {  	v17 =	vadd.s32 v3, v17;
	s5 =	sor.u32 $0x2E80, s4  }
0x26c: {  	[tilespmem:s5], [sflag:s0] =	stream.indirect_vreg.gather [hbm4b:s16+s3], $0x80, v19, vm0, $0xb8;
	[tilespmem:$0x1D300] =	vst v63  }
0x26d: {  	s5 =	sor.u32 $0x2F00, s4  }
0x26e: {  	[tilespmem:s5], [sflag:s0] =	stream.indirect_vreg.gather [hbm4b:s16+s3], $0x80, v35, vm0, $0xb8;
	[tilespmem:$0x1D300] =	vst v63  }
0x26f: {  	s5 =	sor.u32 $0x2F80, s4  }
0x270: {  	[tilespmem:s5], [sflag:s0] =	stream.indirect_vreg.gather [hbm4b:s16+s3], $0x80, v17, vm0, $0xb8;
	[tilespmem:$0x1D300] =	vst v63  }
0x271: {  	v17 =	vld [tilespmem:s6+$0x840];
	_ =	sdelay $0x4  }
0x272: {  	v18 =	vshll.u32 v17, $0x1  }
0x273: {  	v17 =	vand.u32 $0x7, v17;
	v18 =	vand.u32 $0xFFFFFFF0, v18  }
0x274: {  	v17 =	vor.u32 v17, v18  }
0x275: {  	v18 =	vperm.xlane v17, v2;
	_ =	sdelay $0x1  }
0x276: {  	v19 =	vperm.xlane v17, v1;
	v18 =	vadd.s32 v3, v18;
	_ =	sdelay $0x1  }
0x277: {  	v36 =	vperm.xlane v17, v4;
	v19 =	vadd.s32 v3, v19;
	_ =	sdelay $0x1  }
0x278: {  	s5 =	sor.u32 $0x3000, s4;
	v37 =	vperm.xlane v17, v5;
	v20 =	vadd.s32 v3, v36  }
0x279: {  	[tilespmem:s5], [sflag:s0] =	stream.indirect_vreg.gather [hbm4b:s16+s3], $0x80, v18, vm0, $0xb8;
	[tilespmem:$0x1D300] =	vst v63  }
0x27a: {  	v38 =	vperm.xlane v17, v6;
	s5 =	sor.u32 $0x3080, s4;
	v18 =	vadd.s32 v3, v37  }
0x27b: {  	[tilespmem:s5], [sflag:s0] =	stream.indirect_vreg.gather [hbm4b:s16+s3], $0x80, v19, vm0, $0xb8;
	[tilespmem:$0x1D300] =	vst v63  }
0x27c: {  	v39 =	vperm.xlane v17, v7;
	s5 =	sor.u32 $0x3100, s4;
	v19 =	vadd.s32 v3, v38  }
0x27d: {  	[tilespmem:s5], [sflag:s0] =	stream.indirect_vreg.gather [hbm4b:s16+s3], $0x80, v20, vm0, $0xb8;
	[tilespmem:$0x1D300] =	vst v63  }
0x27e: {  	v41 =	vperm.xlane v17, v8;
	v40 =	vadd.s32 v3, v39;
	s5 =	sor.u32 $0x3180, s4  }
0x27f: {  	[tilespmem:s5], [sflag:s0] =	stream.indirect_vreg.gather [hbm4b:s16+s3], $0x80, v18, vm0, $0xb8;
	[tilespmem:$0x1D300] =	vst v63  }
0x280: {  	v42 =	vperm.xlane v17, v0;
	s5 =	sor.u32 $0x3200, s4;
	v18 =	vadd.s32 v3, v41  }
0x281: {  	[tilespmem:s5], [sflag:s0] =	stream.indirect_vreg.gather [hbm4b:s16+s3], $0x80, v19, vm0, $0xb8;
	[tilespmem:$0x1D300] =	vst v63  }
0x282: {  	v43 =	vperm.xlane v17, v9;
	s5 =	sor.u32 $0x3280, s4;
	v19 =	vadd.s32 v3, v42  }
0x283: {  	[tilespmem:s5], [sflag:s0] =	stream.indirect_vreg.gather [hbm4b:s16+s3], $0x80, v40, vm0, $0xb8;
	[tilespmem:$0x1D300] =	vst v63  }
0x284: {  	v45 =	vperm.xlane v17, v10;
	v44 =	vadd.s32 v3, v43;
	s5 =	sor.u32 $0x3300, s4  }
0x285: {  	[tilespmem:s5], [sflag:s0] =	stream.indirect_vreg.gather [hbm4b:s16+s3], $0x80, v18, vm0, $0xb8;
	[tilespmem:$0x1D300] =	vst v63  }
0x286: {  	v46 =	vperm.xlane v17, v11;
	s5 =	sor.u32 $0x3380, s4;
	v18 =	vadd.s32 v3, v45  }
0x287: {  	[tilespmem:s5], [sflag:s0] =	stream.indirect_vreg.gather [hbm4b:s16+s3], $0x80, v19, vm0, $0xb8;
	[tilespmem:$0x1D300] =	vst v63  }
0x288: {  	v47 =	vperm.xlane v17, v12;
	s5 =	sor.u32 $0x3400, s4;
	v19 =	vadd.s32 v3, v46  }
0x289: {  	[tilespmem:s5], [sflag:s0] =	stream.indirect_vreg.gather [hbm4b:s16+s3], $0x80, v44, vm0, $0xb8;
	[tilespmem:$0x1D300] =	vst v63  }
0x28a: {  	v49 =	vperm.xlane v17, v13;
	v48 =	vadd.s32 v3, v47;
	s5 =	sor.u32 $0x3480, s4  }
0x28b: {  	[tilespmem:s5], [sflag:s0] =	stream.indirect_vreg.gather [hbm4b:s16+s3], $0x80, v18, vm0, $0xb8;
	[tilespmem:$0x1D300] =	vst v63  }
0x28c: {  	v50 =	vperm.xlane v17, v14;
	s5 =	sor.u32 $0x3500, s4;
	v18 =	vadd.s32 v3, v49  }
0x28d: {  	[tilespmem:s5], [sflag:s0] =	stream.indirect_vreg.gather [hbm4b:s16+s3], $0x80, v19, vm0, $0xb8;
	[tilespmem:$0x1D300] =	vst v63  }
0x28e: {  	v51 =	vperm.xlane v17, v15;
	s5 =	sor.u32 $0x3580, s4;
	v19 =	vadd.s32 v3, v50  }
0x28f: {  	[tilespmem:s5], [sflag:s0] =	stream.indirect_vreg.gather [hbm4b:s16+s3], $0x80, v48, vm0, $0xb8;
	[tilespmem:$0x1D300] =	vst v63  }
0x290: {  	v17 =	vperm.xlane v17, v16;
	v52 =	vadd.s32 v3, v51;
	s5 =	sor.u32 $0x3600, s4  }
0x291: {  	[tilespmem:s5], [sflag:s0] =	stream.indirect_vreg.gather [hbm4b:s16+s3], $0x80, v18, vm0, $0xb8;
	[tilespmem:$0x1D300] =	vst v63  }
0x292: {  	v17 =	vadd.s32 v3, v17;
	s5 =	sor.u32 $0x3680, s4  }
0x293: {  	[tilespmem:s5], [sflag:s0] =	stream.indirect_vreg.gather [hbm4b:s16+s3], $0x80, v19, vm0, $0xb8;
	[tilespmem:$0x1D300] =	vst v63  }
0x294: {  	s5 =	sor.u32 $0x3700, s4  }
0x295: {  	[tilespmem:s5], [sflag:s0] =	stream.indirect_vreg.gather [hbm4b:s16+s3], $0x80, v52, vm0, $0xb8;
	[tilespmem:$0x1D300] =	vst v63  }
0x296: {  	s5 =	sor.u32 $0x3780, s4  }
0x297: {  	[tilespmem:s5], [sflag:s0] =	stream.indirect_vreg.gather [hbm4b:s16+s3], $0x80, v17, vm0, $0xb8;
	[tilespmem:$0x1D300] =	vst v63  }
0x298: {  	v17 =	vld [tilespmem:s6+$0x850];
	_ =	sdelay $0x4  }
0x299: {  	v18 =	vshll.u32 v17, $0x1  }
0x29a: {  	v17 =	vand.u32 $0x7, v17;
	v18 =	vand.u32 $0xFFFFFFF0, v18  }
0x29b: {  	v17 =	vor.u32 v17, v18  }
0x29c: {  	v18 =	vperm.xlane v17, v2;
	_ =	sdelay $0x1  }
0x29d: {  	v19 =	vperm.xlane v17, v1;
	v18 =	vadd.s32 v3, v18;
	_ =	sdelay $0x1  }
0x29e: {  	v53 =	vperm.xlane v17, v4;
	v19 =	vadd.s32 v3, v19;
	_ =	sdelay $0x1  }
0x29f: {  	s5 =	sor.u32 $0x3800, s4;
	v54 =	vperm.xlane v17, v5;
	v20 =	vadd.s32 v3, v53  }
0x2a0: {  	[tilespmem:s5], [sflag:s0] =	stream.indirect_vreg.gather [hbm4b:s16+s3], $0x80, v18, vm0, $0xb8;
	[tilespmem:$0x1D300] =	vst v63  }
0x2a1: {  	v55 =	vperm.xlane v17, v6;
	s5 =	sor.u32 $0x3880, s4;
	v18 =	vadd.s32 v3, v54  }
0x2a2: {  	[tilespmem:s5], [sflag:s0] =	stream.indirect_vreg.gather [hbm4b:s16+s3], $0x80, v19, vm0, $0xb8;
	[tilespmem:$0x1D300] =	vst v63  }
0x2a3: {  	v56 =	vperm.xlane v17, v7;
	s5 =	sor.u32 $0x3900, s4;
	v19 =	vadd.s32 v3, v55  }
0x2a4: {  	[tilespmem:s5], [sflag:s0] =	stream.indirect_vreg.gather [hbm4b:s16+s3], $0x80, v20, vm0, $0xb8;
	[tilespmem:$0x1D300] =	vst v63  }
0x2a5: {  	v58 =	vperm.xlane v17, v8;
	v57 =	vadd.s32 v3, v56;
	s5 =	sor.u32 $0x3980, s4  }
0x2a6: {  	[tilespmem:s5], [sflag:s0] =	stream.indirect_vreg.gather [hbm4b:s16+s3], $0x80, v18, vm0, $0xb8;
	[tilespmem:$0x1D300] =	vst v63  }
0x2a7: {  	v59 =	vperm.xlane v17, v0;
	s5 =	sor.u32 $0x3A00, s4;
	v18 =	vadd.s32 v3, v58  }
0x2a8: {  	[tilespmem:s5], [sflag:s0] =	stream.indirect_vreg.gather [hbm4b:s16+s3], $0x80, v19, vm0, $0xb8;
	[tilespmem:$0x1D300] =	vst v63  }
0x2a9: {  	v60 =	vperm.xlane v17, v9;
	s5 =	sor.u32 $0x3A80, s4;
	v19 =	vadd.s32 v3, v59  }
0x2aa: {  	[tilespmem:s5], [sflag:s0] =	stream.indirect_vreg.gather [hbm4b:s16+s3], $0x80, v57, vm0, $0xb8;
	[tilespmem:$0x1D300] =	vst v63  }
0x2ab: {  	v62 =	vperm.xlane v17, v10;
	v61 =	vadd.s32 v3, v60;
	s5 =	sor.u32 $0x3B00, s4  }
0x2ac: {  	[tilespmem:s5], [sflag:s0] =	stream.indirect_vreg.gather [hbm4b:s16+s3], $0x80, v18, vm0, $0xb8;
	[tilespmem:$0x1D300] =	vst v63  }
0x2ad: {  	v63 =	vperm.xlane v17, v11;
	s5 =	sor.u32 $0x3B80, s4;
	v18 =	vadd.s32 v3, v62  }
0x2ae: {  	[tilespmem:s5], [sflag:s0] =	stream.indirect_vreg.gather [hbm4b:s16+s3], $0x80, v19, vm0, $0xb8;
	[tilespmem:$0x1D300] =	vst v63  }
0x2af: {  	v24 =	vperm.xlane v17, v12;
	s5 =	sor.u32 $0x3C00, s4;
	v19 =	vadd.s32 v3, v63  }
0x2b0: {  	[tilespmem:s5], [sflag:s0] =	stream.indirect_vreg.gather [hbm4b:s16+s3], $0x80, v61, vm0, $0xb8;
	[tilespmem:$0x1D300] =	vst v63  }
0x2b1: {  	v26 =	vperm.xlane v17, v13;
	v25 =	vadd.s32 v3, v24;
	s5 =	sor.u32 $0x3C80, s4  }
0x2b2: {  	[tilespmem:s5], [sflag:s0] =	stream.indirect_vreg.gather [hbm4b:s16+s3], $0x80, v18, vm0, $0xb8;
	[tilespmem:$0x1D300] =	vst v63  }
0x2b3: {  	v27 =	vperm.xlane v17, v14;
	s5 =	sor.u32 $0x3D00, s4;
	v18 =	vadd.s32 v3, v26  }
0x2b4: {  	[tilespmem:s5], [sflag:s0] =	stream.indirect_vreg.gather [hbm4b:s16+s3], $0x80, v19, vm0, $0xb8;
	[tilespmem:$0x1D300] =	vst v63  }
0x2b5: {  	v28 =	vperm.xlane v17, v15;
	s5 =	sor.u32 $0x3D80, s4;
	v19 =	vadd.s32 v3, v27  }
0x2b6: {  	[tilespmem:s5], [sflag:s0] =	stream.indirect_vreg.gather [hbm4b:s16+s3], $0x80, v25, vm0, $0xb8;
	[tilespmem:$0x1D300] =	vst v63  }
0x2b7: {  	v17 =	vperm.xlane v17, v16;
	v29 =	vadd.s32 v3, v28;
	s5 =	sor.u32 $0x3E00, s4  }
0x2b8: {  	[tilespmem:s5], [sflag:s0] =	stream.indirect_vreg.gather [hbm4b:s16+s3], $0x80, v18, vm0, $0xb8;
	[tilespmem:$0x1D300] =	vst v63  }
0x2b9: {  	v17 =	vadd.s32 v3, v17;
	s5 =	sor.u32 $0x3E80, s4  }
0x2ba: {  	[tilespmem:s5], [sflag:s0] =	stream.indirect_vreg.gather [hbm4b:s16+s3], $0x80, v19, vm0, $0xb8;
	[tilespmem:$0x1D300] =	vst v63  }
0x2bb: {  	s5 =	sor.u32 $0x3F00, s4  }
0x2bc: {  	[tilespmem:s5], [sflag:s0] =	stream.indirect_vreg.gather [hbm4b:s16+s3], $0x80, v29, vm0, $0xb8;
	[tilespmem:$0x1D300] =	vst v63  }
0x2bd: {  	s5 =	sor.u32 $0x3F80, s4  }
0x2be: {  	[tilespmem:s5], [sflag:s0] =	stream.indirect_vreg.gather [hbm4b:s16+s3], $0x80, v17, vm0, $0xb8;
	[tilespmem:$0x1D300] =	vst v63  }
0x2bf: {  	v17 =	vld [tilespmem:s6+$0x860];
	_ =	sdelay $0x4  }
0x2c0: {  	v18 =	vshll.u32 v17, $0x1  }
0x2c1: {  	v17 =	vand.u32 $0x7, v17;
	v18 =	vand.u32 $0xFFFFFFF0, v18  }
0x2c2: {  	v17 =	vor.u32 v17, v18  }
0x2c3: {  	v18 =	vperm.xlane v17, v2;
	_ =	sdelay $0x1  }
0x2c4: {  	v19 =	vperm.xlane v17, v1;
	v18 =	vadd.s32 v3, v18;
	_ =	sdelay $0x1  }
0x2c5: {  	v30 =	vperm.xlane v17, v4;
	v19 =	vadd.s32 v3, v19;
	_ =	sdelay $0x1  }
0x2c6: {  	s5 =	sadd.s32 $0x4000, s4;
	v31 =	vperm.xlane v17, v5;
	v20 =	vadd.s32 v3, v30  }
0x2c7: {  	[tilespmem:s5], [sflag:s0] =	stream.indirect_vreg.gather [hbm4b:s16+s3], $0x80, v18, vm0, $0xb8;
	[tilespmem:$0x1D300] =	vst v63  }
0x2c8: {  	v32 =	vperm.xlane v17, v6;
	s5 =	sadd.s32 $0x4080, s4;
	v18 =	vadd.s32 v3, v31  }
0x2c9: {  	[tilespmem:s5], [sflag:s0] =	stream.indirect_vreg.gather [hbm4b:s16+s3], $0x80, v19, vm0, $0xb8;
	[tilespmem:$0x1D300] =	vst v63  }
0x2ca: {  	v33 =	vperm.xlane v17, v7;
	s5 =	sadd.s32 $0x4100, s4;
	v19 =	vadd.s32 v3, v32  }
0x2cb: {  	[tilespmem:s5], [sflag:s0] =	stream.indirect_vreg.gather [hbm4b:s16+s3], $0x80, v20, vm0, $0xb8;
	[tilespmem:$0x1D300] =	vst v63  }
0x2cc: {  	v35 =	vperm.xlane v17, v8;
	v34 =	vadd.s32 v3, v33;
	s5 =	sadd.s32 $0x4180, s4  }
0x2cd: {  	[tilespmem:s5], [sflag:s0] =	stream.indirect_vreg.gather [hbm4b:s16+s3], $0x80, v18, vm0, $0xb8;
	[tilespmem:$0x1D300] =	vst v63  }
0x2ce: {  	v36 =	vperm.xlane v17, v0;
	s5 =	sadd.s32 $0x4200, s4;
	v18 =	vadd.s32 v3, v35  }
0x2cf: {  	[tilespmem:s5], [sflag:s0] =	stream.indirect_vreg.gather [hbm4b:s16+s3], $0x80, v19, vm0, $0xb8;
	[tilespmem:$0x1D300] =	vst v63  }
0x2d0: {  	v37 =	vperm.xlane v17, v9;
	s5 =	sadd.s32 $0x4280, s4;
	v19 =	vadd.s32 v3, v36  }
0x2d1: {  	[tilespmem:s5], [sflag:s0] =	stream.indirect_vreg.gather [hbm4b:s16+s3], $0x80, v34, vm0, $0xb8;
	[tilespmem:$0x1D300] =	vst v63  }
0x2d2: {  	v39 =	vperm.xlane v17, v10;
	v38 =	vadd.s32 v3, v37;
	s5 =	sadd.s32 $0x4300, s4  }
0x2d3: {  	[tilespmem:s5], [sflag:s0] =	stream.indirect_vreg.gather [hbm4b:s16+s3], $0x80, v18, vm0, $0xb8;
	[tilespmem:$0x1D300] =	vst v63  }
0x2d4: {  	v40 =	vperm.xlane v17, v11;
	s5 =	sadd.s32 $0x4380, s4;
	v18 =	vadd.s32 v3, v39  }
0x2d5: {  	[tilespmem:s5], [sflag:s0] =	stream.indirect_vreg.gather [hbm4b:s16+s3], $0x80, v19, vm0, $0xb8;
	[tilespmem:$0x1D300] =	vst v63  }
0x2d6: {  	v41 =	vperm.xlane v17, v12;
	s5 =	sadd.s32 $0x4400, s4;
	v19 =	vadd.s32 v3, v40  }
0x2d7: {  	[tilespmem:s5], [sflag:s0] =	stream.indirect_vreg.gather [hbm4b:s16+s3], $0x80, v38, vm0, $0xb8;
	[tilespmem:$0x1D300] =	vst v63  }
0x2d8: {  	v43 =	vperm.xlane v17, v13;
	v42 =	vadd.s32 v3, v41;
	s5 =	sadd.s32 $0x4480, s4  }
0x2d9: {  	[tilespmem:s5], [sflag:s0] =	stream.indirect_vreg.gather [hbm4b:s16+s3], $0x80, v18, vm0, $0xb8;
	[tilespmem:$0x1D300] =	vst v63  }
0x2da: {  	v44 =	vperm.xlane v17, v14;
	s5 =	sadd.s32 $0x4500, s4;
	v18 =	vadd.s32 v3, v43  }
0x2db: {  	[tilespmem:s5], [sflag:s0] =	stream.indirect_vreg.gather [hbm4b:s16+s3], $0x80, v19, vm0, $0xb8;
	[tilespmem:$0x1D300] =	vst v63  }
0x2dc: {  	v45 =	vperm.xlane v17, v15;
	s5 =	sadd.s32 $0x4580, s4;
	v19 =	vadd.s32 v3, v44  }
0x2dd: {  	[tilespmem:s5], [sflag:s0] =	stream.indirect_vreg.gather [hbm4b:s16+s3], $0x80, v42, vm0, $0xb8;
	[tilespmem:$0x1D300] =	vst v63  }
0x2de: {  	v17 =	vperm.xlane v17, v16;
	v46 =	vadd.s32 v3, v45;
	s5 =	sadd.s32 $0x4600, s4  }
0x2df: {  	[tilespmem:s5], [sflag:s0] =	stream.indirect_vreg.gather [hbm4b:s16+s3], $0x80, v18, vm0, $0xb8;
	[tilespmem:$0x1D300] =	vst v63  }
0x2e0: {  	v17 =	vadd.s32 v3, v17;
	s5 =	sadd.s32 $0x4680, s4  }
0x2e1: {  	[tilespmem:s5], [sflag:s0] =	stream.indirect_vreg.gather [hbm4b:s16+s3], $0x80, v19, vm0, $0xb8;
	[tilespmem:$0x1D300] =	vst v63  }
0x2e2: {  	s5 =	sadd.s32 $0x4700, s4  }
0x2e3: {  	[tilespmem:s5], [sflag:s0] =	stream.indirect_vreg.gather [hbm4b:s16+s3], $0x80, v46, vm0, $0xb8;
	[tilespmem:$0x1D300] =	vst v63  }
0x2e4: {  	s5 =	sadd.s32 $0x4780, s4  }
0x2e5: {  	[tilespmem:s5], [sflag:s0] =	stream.indirect_vreg.gather [hbm4b:s16+s3], $0x80, v17, vm0, $0xb8;
	[tilespmem:$0x1D300] =	vst v63  }
0x2e6: {  	v17 =	vld [tilespmem:s6+$0x870];
	_ =	sdelay $0x4  }
0x2e7: {  	v18 =	vshll.u32 v17, $0x1  }
0x2e8: {  	v17 =	vand.u32 $0x7, v17;
	v18 =	vand.u32 $0xFFFFFFF0, v18  }
0x2e9: {  	v17 =	vor.u32 v17, v18  }
0x2ea: {  	v18 =	vperm.xlane v17, v2;
	_ =	sdelay $0x1  }
0x2eb: {  	v19 =	vperm.xlane v17, v1;
	v18 =	vadd.s32 v3, v18;
	_ =	sdelay $0x1  }
0x2ec: {  	v47 =	vperm.xlane v17, v4;
	v19 =	vadd.s32 v3, v19;
	_ =	sdelay $0x1  }
0x2ed: {  	s6 =	sadd.s32 $0x4800, s4;
	v48 =	vperm.xlane v17, v5;
	v20 =	vadd.s32 v3, v47  }
0x2ee: {  	[tilespmem:s6], [sflag:s0] =	stream.indirect_vreg.gather [hbm4b:s16+s3], $0x80, v18, vm0, $0xb8;
	[tilespmem:$0x1D300] =	vst v63  }
0x2ef: {  	v49 =	vperm.xlane v17, v6;
	s6 =	sadd.s32 $0x4880, s4;
	v18 =	vadd.s32 v3, v48  }
0x2f0: {  	[tilespmem:s6], [sflag:s0] =	stream.indirect_vreg.gather [hbm4b:s16+s3], $0x80, v19, vm0, $0xb8;
	[tilespmem:$0x1D300] =	vst v63  }
0x2f1: {  	v50 =	vperm.xlane v17, v7;
	s6 =	sadd.s32 $0x4900, s4;
	v19 =	vadd.s32 v3, v49  }
0x2f2: {  	[tilespmem:s6], [sflag:s0] =	stream.indirect_vreg.gather [hbm4b:s16+s3], $0x80, v20, vm0, $0xb8;
	[tilespmem:$0x1D300] =	vst v63  }
0x2f3: {  	v52 =	vperm.xlane v17, v8;
	v51 =	vadd.s32 v3, v50;
	s6 =	sadd.s32 $0x4980, s4  }
0x2f4: {  	[tilespmem:s6], [sflag:s0] =	stream.indirect_vreg.gather [hbm4b:s16+s3], $0x80, v18, vm0, $0xb8;
	[tilespmem:$0x1D300] =	vst v63  }
0x2f5: {  	v53 =	vperm.xlane v17, v0;
	s6 =	sadd.s32 $0x4A00, s4;
	v18 =	vadd.s32 v3, v52  }
0x2f6: {  	[tilespmem:s6], [sflag:s0] =	stream.indirect_vreg.gather [hbm4b:s16+s3], $0x80, v19, vm0, $0xb8;
	[tilespmem:$0x1D300] =	vst v63  }
0x2f7: {  	v54 =	vperm.xlane v17, v9;
	s6 =	sadd.s32 $0x4A80, s4;
	v19 =	vadd.s32 v3, v53  }
0x2f8: {  	[tilespmem:s6], [sflag:s0] =	stream.indirect_vreg.gather [hbm4b:s16+s3], $0x80, v51, vm0, $0xb8;
	[tilespmem:$0x1D300] =	vst v63  }
0x2f9: {  	v56 =	vperm.xlane v17, v10;
	v55 =	vadd.s32 v3, v54;
	s6 =	sadd.s32 $0x4B00, s4  }
0x2fa: {  	[tilespmem:s6], [sflag:s0] =	stream.indirect_vreg.gather [hbm4b:s16+s3], $0x80, v18, vm0, $0xb8;
	[tilespmem:$0x1D300] =	vst v63  }
0x2fb: {  	v57 =	vperm.xlane v17, v11;
	s6 =	sadd.s32 $0x4B80, s4;
	v18 =	vadd.s32 v3, v56  }
0x2fc: {  	[tilespmem:s6], [sflag:s0] =	stream.indirect_vreg.gather [hbm4b:s16+s3], $0x80, v19, vm0, $0xb8;
	[tilespmem:$0x1D300] =	vst v63  }
0x2fd: {  	v58 =	vperm.xlane v17, v12;
	s6 =	sadd.s32 $0x4C00, s4;
	v19 =	vadd.s32 v3, v57  }
0x2fe: {  	[tilespmem:s6], [sflag:s0] =	stream.indirect_vreg.gather [hbm4b:s16+s3], $0x80, v55, vm0, $0xb8;
	[tilespmem:$0x1D300] =	vst v63  }
0x2ff: {  	v60 =	vperm.xlane v17, v13;
	v59 =	vadd.s32 v3, v58;
	s6 =	sadd.s32 $0x4C80, s4  }
0x300: {  	[tilespmem:s6], [sflag:s0] =	stream.indirect_vreg.gather [hbm4b:s16+s3], $0x80, v18, vm0, $0xb8;
	[tilespmem:$0x1D300] =	vst v63  }
0x301: {  	v61 =	vperm.xlane v17, v14;
	s6 =	sadd.s32 $0x4D00, s4;
	v18 =	vadd.s32 v3, v60  }
0x302: {  	[tilespmem:s6], [sflag:s0] =	stream.indirect_vreg.gather [hbm4b:s16+s3], $0x80, v19, vm0, $0xb8;
	[tilespmem:$0x1D300] =	vst v63  }
0x303: {  	s6 =	sadd.s32 $0x4D80, s4;
	v19 =	vadd.s32 v3, v61  }
0x304: {  	v62 =	vperm.xlane v17, v15;
	[tilespmem:s6], [sflag:s0] =	stream.indirect_vreg.gather [hbm4b:s16+s3], $0x80, v59, vm0, $0xb8;
	[tilespmem:$0x1D300] =	vst v63  }
0x305: {  	s6 =	sadd.s32 $0x4E00, s4  }
0x306: {  	v17 =	vperm.xlane v17, v16;
	v63 =	vadd.s32 v3, v62;
	[tilespmem:s6], [sflag:s0] =	stream.indirect_vreg.gather [hbm4b:s16+s3], $0x80, v18, vm0, $0xb8;
	[tilespmem:$0x1D300] =	vst v63  }
0x307: {  	s6 =	sadd.s32 $0x4E80, s4  }
0x308: {  	v17 =	vadd.s32 v3, v17;
	[tilespmem:s6], [sflag:s0] =	stream.indirect_vreg.gather [hbm4b:s16+s3], $0x80, v19, vm0, $0xb8;
	[tilespmem:$0x1D300] =	vst v63  }
.Ltmp6:
0x309: {  	_ = 	snop;
	(pc) =	sbr.rel .LBB2_6-.Ltmp6, $4  }
0x30a: {  	s6 =	sadd.s32 $0x4F00, s4  }
0x30b: {  	[tilespmem:s6], [sflag:s0] =	stream.indirect_vreg.gather [hbm4b:s16+s3], $0x80, v63, vm0, $0xb8;
	[tilespmem:$0x1D300] =	vst v63  }
0x30c: {  	s4 =	sadd.s32 $0x4F80, s4  }
0x30d: {  	[tilespmem:s4], [sflag:s0] =	stream.indirect_vreg.gather [hbm4b:s16+s3], $0x80, v17, vm0, $0xb8;
	[tilespmem:$0x1D300] =	vst v63  }
.LBB2_8:
0x30e: {  	_ =	sfence.sel $0x180000  }
0x30f: {  	[bflag:$0x0] =	sbarrier.arrive $0xFFFF  }
0x310: {  	_ =	strace $0x90000047  }
0x311: {  	s0 =	stileid.u32;
	[bflag:$0x2] =	sbarrier.arrive $0xFFFF  }
0x312: {  	p0 =	sne.s32 s0, $0x0;
	s0 =	rddreg [dreg:$0x5]  }
0x313: {  	s0 =	sadd.s32 @!p0 $0x100000, s0  }
0x314: {  	[sflag:s0] =	ssyncadd.tile.s32 @!p0 $0x1;
	_ =	shalt  }
.Lfunc_end2:
_tile_overlayer_lowered:
.L_overlay_start_2:
0x315: {  	(tag) =	ssettag $0x2  }
0x316: {  	s0 =	rddreg [dreg:$0x0];
	s2 =	stileid.u32  }
0x317: {  	s1 =	rddreg [dreg:$0x1];
	p0 =	sne.s32 s2, $0x0  }
0x318: {  	s3 =	rddreg [dreg:$0x2];
	[bflag:$0x3] =	sbarrier.arrive $0xFFFF;
	s2 =	simm.s32 @!p0 $0x1C05  }
0x319: {  	[timem:s3], [sflag:s2] =	dma.local @!p0 [hbm:s0], s1  }
0x31a: {  	s0 =	simm.s32 @!p0 $0x5  }
0x31b: {  	_ =	swait.ge @!p0 [sflag:s0], s1  }
0x31c: {  	s1 =	ssub.s32 @!p0 $0x0, s1;
	[sflag:s0] =	ssyncset.done @!p0 $0x0  }
0x31d: {  	[sflag:s0] =	ssyncadd.s32 @!p0 s1  }
0x31e: {  	[bflag:$0x3] =	sbarrier.arrive $0xFFFF  }
0x31f: {  	_ =	shalt  }

</sc_bundles>
